<compile_context>
chip_gen: v7x
topology: tpu7x:2x2x1
jax: 0.10.2.dev20260603
libtpu: 0.0.44.dev20260713+nightly
codegen_flags: <defaults>
</compile_context>

<pallas_src>
import functools

import jax
import jax.numpy as jnp
from jax import lax
from jax.experimental import pallas as pl
from jax.experimental.pallas import tpu as pltpu
from jax.experimental.pallas import tpu_sc as plsc

N = 10000
E = 320000
D = 128
G = 64
OUT = 10

NC = 2
NS = 16
NW = NC * NS

NP = 10240
ROWS_PER_TILE = NP // NS
CHUNK = 128
N_CHUNKS = 80
CH_PHASE = 40
EDGES_PER_TILE = N_CHUNKS * CHUNK
EP = EDGES_PER_TILE * NW
TOTAL_CHUNKS = EP // CHUNK
COL_SENTINEL = N

_mesh = plsc.VectorSubcoreMesh(core_axis_name="c", subcore_axis_name="s")


def _worker_id():
    return lax.axis_index("s") * NC + lax.axis_index("c")


def _fill_buf_2d(buf, rows, width, value):
    v16 = jnp.full((16,), value, jnp.float32)

    def body(r, _):
        for j in range(width // 16):
            buf[r, pl.ds(j * 16, 16)] = v16
        return 0

    lax.fori_loop(0, rows, body, 0)


def _deg_body(col_hbm, out_hbm, colall, obuf, hist_sh):
    cid = lax.axis_index("c")
    tid = lax.axis_index("s")
    wid = _worker_id()

    _fill_buf_2d(obuf, CHUNK, D, 0.0)
    for k in range(ROWS_PER_TILE // CHUNK):
        pltpu.sync_copy(obuf, hist_sh.at[pl.ds(tid * ROWS_PER_TILE + k * CHUNK, CHUNK)])
    _fill_buf_2d(obuf, CHUNK, D, 1.0)
    pltpu.sync_copy(col_hbm.at[wid], colall)
    plsc.subcore_barrier()

    def body(i, _):
        pltpu.sync_copy(obuf, hist_sh.at[colall.at[i]], add=True)
        return 0

    lax.fori_loop(0, N_CHUNKS, body, 0)
    plsc.subcore_barrier()

    pltpu.sync_copy(
        hist_sh.at[pl.ds(tid * ROWS_PER_TILE, ROWS_PER_TILE)],
        out_hbm.at[cid, pl.ds(tid * ROWS_PER_TILE, ROWS_PER_TILE)],
    )


def _edge_body(y0_hbm, row_hbm, col_hbm, out_hbm, rowall, colall,
               gbufa, gbufb, agg_sh, sema, semb):
    cid = lax.axis_index("c")
    tid = lax.axis_index("s")

    _fill_buf_2d(gbufa, CHUNK, D, 0.0)
    for k in range(ROWS_PER_TILE // CHUNK):
        pltpu.sync_copy(gbufa, agg_sh.at[pl.ds(tid * ROWS_PER_TILE + k * CHUNK, CHUNK)])
    plsc.subcore_barrier()

    wid = tid * NC + cid
    start_chunk = wid * N_CHUNKS

    def body(i, _):
        pltpu.sync_copy(row_hbm.at[start_chunk + i], rowall.at[0])
        pltpu.sync_copy(col_hbm.at[start_chunk + i], colall.at[0])
        pltpu.async_copy(y0_hbm.at[rowall.at[0]], gbufa, sema).wait()
        pltpu.sync_copy(gbufa, agg_sh.at[colall.at[0]], add=True)
        return 0

    lax.fori_loop(0, N_CHUNKS, body, 0)
    plsc.subcore_barrier()

    pltpu.sync_copy(
        agg_sh.at[pl.ds(tid * ROWS_PER_TILE, ROWS_PER_TILE)],
        out_hbm.at[cid, pl.ds(tid * ROWS_PER_TILE, ROWS_PER_TILE)],
    )


def _make_deg_kernel(interpret=False):
    return pl.kernel(
        _deg_body,
        out_type=jax.ShapeDtypeStruct((NC, NP, D), jnp.float32),
        mesh=_mesh,
        scratch_types=[
            pltpu.VMEM((N_CHUNKS, CHUNK), jnp.int32),
            pltpu.VMEM((CHUNK, D), jnp.float32),
            pltpu.VMEM_SHARED((NP, D), jnp.float32),
        ],
        interpret=interpret,
    )


def _make_edge_kernel(interpret=False):
    return pl.kernel(
        _edge_body,
        out_type=jax.ShapeDtypeStruct((NC, NP, D), jnp.float32),
        mesh=_mesh,
        scratch_types=[
            pltpu.VMEM((CH_PHASE, CHUNK), jnp.int32),
            pltpu.VMEM((CH_PHASE, CHUNK), jnp.int32),
            pltpu.VMEM((CHUNK, D), jnp.float32),
            pltpu.VMEM((CHUNK, D), jnp.float32),
            pltpu.VMEM_SHARED((NP, D), jnp.float32),
            pltpu.SemaphoreType.DMA,
            pltpu.SemaphoreType.DMA,
        ],
        interpret=interpret,
    )


_deg_kernel = _make_deg_kernel()
_edge_kernel = _make_edge_kernel()


_BLK = 1280
_GRID = NP // _BLK


def _tc1_body(degp_ref, x_ref, w1_ref, y_ref, dis_ref):
    deg = degp_ref[0, :, 0:1] + degp_ref[1, :, 0:1]
    dis = jnp.where(deg > 0.0, lax.rsqrt(deg), 0.0)
    xl = lax.dot_general(x_ref[...], w1_ref[...], (((1,), (1,)), ((), ())),
                         preferred_element_type=jnp.float32)
    y_ref[...] = dis * xl
    dis_ref[...] = dis


def _tc1(degp, x_p, w1):
    return pl.pallas_call(
        _tc1_body,
        grid=(_GRID,),
        in_specs=[
            pl.BlockSpec((NC, _BLK, D), lambda i: (0, i, 0)),
            pl.BlockSpec((_BLK, D), lambda i: (i, 0)),
            pl.BlockSpec((D, D), lambda i: (0, 0)),
        ],
        out_specs=[
            pl.BlockSpec((_BLK, D), lambda i: (i, 0)),
            pl.BlockSpec((_BLK, 1), lambda i: (i, 0)),
        ],
        out_shape=[
            jax.ShapeDtypeStruct((NP, D), jnp.float32),
            jax.ShapeDtypeStruct((NP, 1), jnp.float32),
        ],
    )(degp, x_p, w1)


def _tc2_body(aggp_ref, dis_ref, b1_ref, w2_ref, y2_ref):
    dis = dis_ref[...]
    h = dis * (aggp_ref[0] + aggp_ref[1]) + b1_ref[...]
    h = jnp.maximum(h, 0.0)
    y2 = lax.dot_general(h, w2_ref[...], (((1,), (1,)), ((), ())),
                         preferred_element_type=jnp.float32)
    y2_ref[...] = dis * y2


def _tc2(aggp, dis, b1, w2):
    return pl.pallas_call(
        _tc2_body,
        grid=(_GRID,),
        in_specs=[
            pl.BlockSpec((NC, _BLK, D), lambda i: (0, i, 0)),
            pl.BlockSpec((_BLK, 1), lambda i: (i, 0)),
            pl.BlockSpec((1, D), lambda i: (0, 0)),
            pl.BlockSpec((D, D), lambda i: (0, 0)),
        ],
        out_specs=pl.BlockSpec((_BLK, D), lambda i: (i, 0)),
        out_shape=jax.ShapeDtypeStruct((NP, D), jnp.float32),
    )(aggp, dis, b1, w2)


def _tc3_body(aggp_ref, dis_ref, b2_ref, batch_ref, wout_ref, bout_ref,
              logits_ref, sums_ref, cnt_ref):
    i = pl.program_id(0)

    @pl.when(i == 0)
    def _():
        sums_ref[...] = jnp.zeros_like(sums_ref)
        cnt_ref[...] = jnp.zeros_like(cnt_ref)

    dis = dis_ref[...]
    h = dis * (aggp_ref[0] + aggp_ref[1]) + b2_ref[...]
    b = batch_ref[...]
    gids = lax.broadcasted_iota(jnp.int32, (_BLK, G), 1)
    p = (b == gids).astype(jnp.float32)
    sums_ref[...] += lax.dot_general(p, h, (((0,), (0,)), ((), ())),
                                     preferred_element_type=jnp.float32)
    cnt_ref[...] += lax.dot_general(p, jnp.ones((_BLK, 1), jnp.float32),
                                    (((0,), (0,)), ((), ())),
                                    preferred_element_type=jnp.float32)

    @pl.when(i == _GRID - 1)
    def _():
        mean = sums_ref[...] / jnp.maximum(cnt_ref[...], 1.0)
        logits_ref[...] = lax.dot_general(
            mean, wout_ref[...], (((1,), (1,)), ((), ())),
            preferred_element_type=jnp.float32) + bout_ref[...]


def _tc3(aggp, dis, b2, batch_p, wout, bout):
    return pl.pallas_call(
        _tc3_body,
        grid=(_GRID,),
        in_specs=[
            pl.BlockSpec((NC, _BLK, D), lambda i: (0, i, 0)),
            pl.BlockSpec((_BLK, 1), lambda i: (i, 0)),
            pl.BlockSpec((1, D), lambda i: (0, 0)),
            pl.BlockSpec((_BLK, 1), lambda i: (i, 0)),
            pl.BlockSpec((OUT, D), lambda i: (0, 0)),
            pl.BlockSpec((1, OUT), lambda i: (0, 0)),
        ],
        out_specs=pl.BlockSpec((G, OUT), lambda i: (0, 0)),
        out_shape=jax.ShapeDtypeStruct((G, OUT), jnp.float32),
        scratch_shapes=[
            pltpu.VMEM((G, D), jnp.float32),
            pltpu.VMEM((G, 1), jnp.float32),
        ],
    )(aggp, dis, b2, batch_p, wout, bout)


def kernel(x, edge_index, batch, W1, b1, W2, b2, Wout, bout):
    row = edge_index[0]
    col = edge_index[1]
    row_p = jnp.concatenate([row, jnp.zeros((EP - E,), jnp.int32)])
    row_p = row_p.reshape(TOTAL_CHUNKS, CHUNK)
    col_p = jnp.concatenate([col, jnp.full((EP - E,), COL_SENTINEL, jnp.int32)])
    col_p3 = col_p.reshape(NW, N_CHUNKS, CHUNK)
    col_p = col_p.reshape(TOTAL_CHUNKS, CHUNK)
    x_p = jnp.concatenate([x, jnp.zeros((NP - N, D), jnp.float32)])
    batch_p = jnp.concatenate([batch, jnp.full((NP - N,), G, jnp.int32)])
    batch_p = batch_p.reshape(NP, 1)

    degp = _deg_kernel(col_p3)
    y1, dis = _tc1(degp, x_p, W1)
    aggp1 = _edge_kernel(y1, row_p, col_p)
    y2 = _tc2(aggp1, dis, b1.reshape(1, D), W2)
    aggp2 = _edge_kernel(y2, row_p, col_p)
    logits = _tc3(aggp2, dis, b2.reshape(1, D), batch_p, Wout, bout.reshape(1, OUT))
    return logits

# --- scband reference (transcript-rebuilt; emitter-appended) ---
"""Pipeline reference for scband-gnnmodel-37452114821936 (READ-ONLY COPY).

The authoritative reference and input builder live on the scoring server;
editing this copy changes nothing except your own understanding.
"""

import jax, jax.numpy as jnp
import numpy as np

NUM_GRAPHS = 64

def setup_inputs(seed: int = 0) -> dict:
    key = jax.random.key(seed)
    N, E, D, H, OUT = 10000, 320000, 128, 128, 10
    k_x, k_e, k_b, k1, k2, k3, k4, k5, k6 = jax.random.split(key, 9)
    x = jax.random.normal(k_x, (N, D), dtype=jnp.float32)
    edge_index = jax.random.randint(k_e, (2, E), 0, N, dtype=jnp.int32)
    batch = jnp.sort(jax.random.randint(k_b, (N,), 0, NUM_GRAPHS, dtype=jnp.int32))
    # GCNConv layer 1: Linear(D->H) weight [H, D] + bias [H]
    W1 = jax.random.normal(k1, (H, D), dtype=jnp.float32) * (1.0 / np.sqrt(D))
    b1 = jnp.zeros((H,), dtype=jnp.float32)
    # GCNConv layer 2: Linear(H->H)
    W2 = jax.random.normal(k2, (H, H), dtype=jnp.float32) * (1.0 / np.sqrt(H))
    b2 = jnp.zeros((H,), dtype=jnp.float32)
    # Output linear (orthogonal-init fallback since out_dim=10, hidden=128)
    A = jax.random.normal(k3, (H, H), dtype=jnp.float32)
    Q, _ = jnp.linalg.qr(A)
    Wout = Q[:OUT, :]
    bout = jnp.zeros((OUT,), dtype=jnp.float32)
    return {"x": x, "edge_index": edge_index, "batch": batch,
            "W1": W1, "b1": b1, "W2": W2, "b2": b2, "Wout": Wout, "bout": bout}

def _gcn_conv(x, edge_index, W, b):
    # PyG GCNConv with add_self_loops=False:
    #   x' = D^{-1/2} A D^{-1/2} (x @ W^T) + b
    N = x.shape[0]
    E = edge_index.shape[1]
    xl = x @ W.T
    row = edge_index[0]
    col = edge_index[1]
    deg = jax.ops.segment_sum(jnp.ones((E,), dtype=x.dtype), col, num_segments=N)
    deg_inv_sqrt = jnp.where(deg > 0, 1.0 / jnp.sqrt(deg), 0.0)
    norm = deg_inv_sqrt[row] * deg_inv_sqrt[col]
    msg = norm[:, None] * jnp.take(xl, row, axis=0)
    out = jax.ops.segment_sum(msg, col, num_segments=N)
    return out + b

def reference(x, edge_index, batch, W1, b1, W2, b2, Wout, bout):
    h = _gcn_conv(x, edge_index, W1, b1)
    h = jax.nn.relu(h)  # relu between convs, not after the last one
    h = _gcn_conv(h, edge_index, W2, b2)
    # global_mean_pool: scatter-mean over batch vector (count clamped to >=1)
    N = h.shape[0]
    sums = jax.ops.segment_sum(h, batch, num_segments=NUM_GRAPHS)
    counts = jax.ops.segment_sum(jnp.ones((N,), dtype=h.dtype), batch, num_segments=NUM_GRAPHS)
    graph_repr = sums / jnp.clip(counts, 1.0)[:, None]
    logits = graph_repr @ Wout.T + bout
    return logits

if __name__ == "__main__":
    import jax
    _d = setup_inputs()
    print(jax.jit(kernel)(*tuple(_d.values())))

</pallas_src>

<mosaic_0001>
#map = affine_map<(d0, d1) -> (0, 0, 0)>
module attributes {stable_mosaic.version = 14 : i64} {
  func.func @_deg_body(%arg0: i32, %arg1: i32, %arg2: memref<32x80x128xi32, #tpu.memory_space<hbm>>, %arg3: memref<2x10240x128xf32, #tpu.memory_space<hbm>>, %arg4: memref<80x128xi32, #tpu.memory_space<vmem>>, %arg5: memref<128x128xf32, #tpu.memory_space<vmem>>, %arg6: memref<10240x128xf32, #tpu.memory_space<vmem_shared>>) attributes {dimension_semantics = [#tpu.dimension_semantics<core_parallel>, #tpu.dimension_semantics<subcore_parallel>], iteration_bounds = array<i64: 2, 16>, scalar_prefetch = 0 : i64, scratch_operands = 3 : i64, tpu.core_type = #tpu.core_type<sc_vector_subcore>, window_params = [{transform_indices = #map}, {transform_indices = #map}]} {
    %mul3A = arith.constant 2 : i32
    %mul3A_0 = arith.muli %arg1, %mul3A : i32
    %add3A = arith.addi %mul3A_0, %arg0 : i32
    %broadcast_in_dim3A = arith.constant 0.000000e+00 : f32
    %broadcast_in_dim3A_1 = vector.broadcast %broadcast_in_dim3A : f32 to vector<16xf32>
    %scan3A = arith.constant 0 : i32
    %scan3A_2 = arith.constant 0 : i32
    %scan3A_3 = arith.constant 128 : i32
    %scan3A_4 = arith.addi %scan3A_2, %scan3A_3 : i32
    %scan3A_5 = arith.constant 1 : i32
    %scan3A_6 = scf.for %scan3A_49 = %scan3A_2 to %scan3A_4 step %scan3A_5 iter_args(%scan3A_50 = %scan3A) -> (i32)  : i32 {
      %swap3A = arith.index_cast %scan3A_49 : i32 to index
      %swap3A_51 = arith.constant 0 : index
      %swap3A_52 = tpu.vector_load %arg5[%swap3A, %swap3A_51] {strides = array<i32>} : memref<128x128xf32, #tpu.memory_space<vmem>>, vector<1x16xf32>,
      %swap3A_53 = vector.shape_cast %swap3A_52 : vector<1x16xf32> to vector<16xf32>
      %swap3A_54 = vector.shape_cast %broadcast_in_dim3A_1 : vector<16xf32> to vector<1x16xf32>
      tpu.vector_store %arg5[%swap3A, %swap3A_51], %swap3A_54 {strides = array<i32>} : memref<128x128xf32, #tpu.memory_space<vmem>>, vector<1x16xf32>,
      %swap3A_55 = arith.index_cast %scan3A_49 : i32 to index
      %swap3A_56 = arith.constant 16 : index
      %swap3A_57 = tpu.vector_load %arg5[%swap3A_55, %swap3A_56] {strides = array<i32>} : memref<128x128xf32, #tpu.memory_space<vmem>>, vector<1x16xf32>,
      %swap3A_58 = vector.shape_cast %swap3A_57 : vector<1x16xf32> to vector<16xf32>
      %swap3A_59 = vector.shape_cast %broadcast_in_dim3A_1 : vector<16xf32> to vector<1x16xf32>
      tpu.vector_store %arg5[%swap3A_55, %swap3A_56], %swap3A_59 {strides = array<i32>} : memref<128x128xf32, #tpu.memory_space<vmem>>, vector<1x16xf32>,
      %swap3A_60 = arith.index_cast %scan3A_49 : i32 to index
      %swap3A_61 = arith.constant 32 : index
      %swap3A_62 = tpu.vector_load %arg5[%swap3A_60, %swap3A_61] {strides = array<i32>} : memref<128x128xf32, #tpu.memory_space<vmem>>, vector<1x16xf32>,
      %swap3A_63 = vector.shape_cast %swap3A_62 : vector<1x16xf32> to vector<16xf32>
      %swap3A_64 = vector.shape_cast %broadcast_in_dim3A_1 : vector<16xf32> to vector<1x16xf32>
      tpu.vector_store %arg5[%swap3A_60, %swap3A_61], %swap3A_64 {strides = array<i32>} : memref<128x128xf32, #tpu.memory_space<vmem>>, vector<1x16xf32>,
      %swap3A_65 = arith.index_cast %scan3A_49 : i32 to index
      %swap3A_66 = arith.constant 48 : index
      %swap3A_67 = tpu.vector_load %arg5[%swap3A_65, %swap3A_66] {strides = array<i32>} : memref<128x128xf32, #tpu.memory_space<vmem>>, vector<1x16xf32>,
      %swap3A_68 = vector.shape_cast %swap3A_67 : vector<1x16xf32> to vector<16xf32>
      %swap3A_69 = vector.shape_cast %broadcast_in_dim3A_1 : vector<16xf32> to vector<1x16xf32>
      tpu.vector_store %arg5[%swap3A_65, %swap3A_66], %swap3A_69 {strides = array<i32>} : memref<128x128xf32, #tpu.memory_space<vmem>>, vector<1x16xf32>,
      %swap3A_70 = arith.index_cast %scan3A_49 : i32 to index
      %swap3A_71 = arith.constant 64 : index
      %swap3A_72 = tpu.vector_load %arg5[%swap3A_70, %swap3A_71] {strides = array<i32>} : memref<128x128xf32, #tpu.memory_space<vmem>>, vector<1x16xf32>,
      %swap3A_73 = vector.shape_cast %swap3A_72 : vector<1x16xf32> to vector<16xf32>
      %swap3A_74 = vector.shape_cast %broadcast_in_dim3A_1 : vector<16xf32> to vector<1x16xf32>
      tpu.vector_store %arg5[%swap3A_70, %swap3A_71], %swap3A_74 {strides = array<i32>} : memref<128x128xf32, #tpu.memory_space<vmem>>, vector<1x16xf32>,
      %swap3A_75 = arith.index_cast %scan3A_49 : i32 to index
      %swap3A_76 = arith.constant 80 : index
      %swap3A_77 = tpu.vector_load %arg5[%swap3A_75, %swap3A_76] {strides = array<i32>} : memref<128x128xf32, #tpu.memory_space<vmem>>, vector<1x16xf32>,
      %swap3A_78 = vector.shape_cast %swap3A_77 : vector<1x16xf32> to vector<16xf32>
      %swap3A_79 = vector.shape_cast %broadcast_in_dim3A_1 : vector<16xf32> to vector<1x16xf32>
      tpu.vector_store %arg5[%swap3A_75, %swap3A_76], %swap3A_79 {strides = array<i32>} : memref<128x128xf32, #tpu.memory_space<vmem>>, vector<1x16xf32>,
      %swap3A_80 = arith.index_cast %scan3A_49 : i32 to index
      %swap3A_81 = arith.constant 96 : index
      %swap3A_82 = tpu.vector_load %arg5[%swap3A_80, %swap3A_81] {strides = array<i32>} : memref<128x128xf32, #tpu.memory_space<vmem>>, vector<1x16xf32>,
      %swap3A_83 = vector.shape_cast %swap3A_82 : vector<1x16xf32> to vector<16xf32>
      %swap3A_84 = vector.shape_cast %broadcast_in_dim3A_1 : vector<16xf32> to vector<1x16xf32>
      tpu.vector_store %arg5[%swap3A_80, %swap3A_81], %swap3A_84 {strides = array<i32>} : memref<128x128xf32, #tpu.memory_space<vmem>>, vector<1x16xf32>,
      %swap3A_85 = arith.index_cast %scan3A_49 : i32 to index
      %swap3A_86 = arith.constant 112 : index
      %swap3A_87 = tpu.vector_load %arg5[%swap3A_85, %swap3A_86] {strides = array<i32>} : memref<128x128xf32, #tpu.memory_space<vmem>>, vector<1x16xf32>,
      %swap3A_88 = vector.shape_cast %swap3A_87 : vector<1x16xf32> to vector<16xf32>
      %swap3A_89 = vector.shape_cast %broadcast_in_dim3A_1 : vector<16xf32> to vector<1x16xf32>
      tpu.vector_store %arg5[%swap3A_85, %swap3A_86], %swap3A_89 {strides = array<i32>} : memref<128x128xf32, #tpu.memory_space<vmem>>, vector<1x16xf32>,
      %scan3A_90 = arith.constant 0 : i32
      scf.yield %scan3A_90 : i32
    }
    %scan3A_7 = arith.constant 128 : i32
    %mul3A_8 = arith.constant 640 : i32
    %mul3A_9 = arith.muli %arg1, %mul3A_8 : i32
    %add3A_10 = arith.constant 0 : i32
    %add3A_11 = arith.addi %mul3A_9, %add3A_10 : i32
    "tpu.region"() ({
      %run_scoped3A = tpu.sem_alloc : memref<!tpu.dma_semaphore, #tpu.memory_space<semaphore_mem>>
      %dma_start3A = arith.constant 0 : i32
      %dma_start3A_49 = tpu.memref_slice %arg6[%add3A_11, %dma_start3A] : memref<10240x128xf32, #tpu.memory_space<vmem_shared>> -> memref<128x128xf32, #tpu.memory_space<vmem_shared>>
      %dma_start3A_50 = arith.constant 0 : i32
      %dma_start3A_51 = tpu.memref_slice %arg6[%add3A_11, %dma_start3A_50] : memref<10240x128xf32, #tpu.memory_space<vmem_shared>> -> memref<128x128xf32, #tpu.memory_space<vmem_shared>>
      tpu.enqueue_dma source(%arg5 : memref<128x128xf32, #tpu.memory_space<vmem>>) target(%dma_start3A_51 : memref<128x128xf32, #tpu.memory_space<vmem_shared>>) target_semaphore(%run_scoped3A : memref<!tpu.dma_semaphore, #tpu.memory_space<semaphore_mem>>)
      %dma_wait3A = arith.constant 0 : i32
      %dma_wait3A_52 = tpu.memref_slice %arg6[%add3A_11, %dma_wait3A] : memref<10240x128xf32, #tpu.memory_space<vmem_shared>> -> memref<128x128xf32, #tpu.memory_space<vmem_shared>>
      %dma_wait3A_53 = arith.constant 0 : i32
      %dma_wait3A_54 = tpu.memref_slice %arg6[%add3A_11, %dma_wait3A_53] : memref<10240x128xf32, #tpu.memory_space<vmem_shared>> -> memref<128x128xf32, #tpu.memory_space<vmem_shared>>
      tpu.wait_dma2 semaphore(%run_scoped3A : memref<!tpu.dma_semaphore, #tpu.memory_space<semaphore_mem>>) src(%arg5 : memref<128x128xf32, #tpu.memory_space<vmem>>) dst(%dma_wait3A_54 : memref<128x128xf32, #tpu.memory_space<vmem_shared>>)
      tpu.yield
    }) : () -> ()
    %mul3A_12 = arith.constant 640 : i32
    %mul3A_13 = arith.muli %arg1, %mul3A_12 : i32
    %add3A_14 = arith.constant 128 : i32
    %add3A_15 = arith.addi %mul3A_13, %add3A_14 : i32
    "tpu.region"() ({
      %run_scoped3A = tpu.sem_alloc : memref<!tpu.dma_semaphore, #tpu.memory_space<semaphore_mem>>
      %dma_start3A = arith.constant 0 : i32
      %dma_start3A_49 = tpu.memref_slice %arg6[%add3A_15, %dma_start3A] : memref<10240x128xf32, #tpu.memory_space<vmem_shared>> -> memref<128x128xf32, #tpu.memory_space<vmem_shared>>
      %dma_start3A_50 = arith.constant 0 : i32
      %dma_start3A_51 = tpu.memref_slice %arg6[%add3A_15, %dma_start3A_50] : memref<10240x128xf32, #tpu.memory_space<vmem_shared>> -> memref<128x128xf32, #tpu.memory_space<vmem_shared>>
      tpu.enqueue_dma source(%arg5 : memref<128x128xf32, #tpu.memory_space<vmem>>) target(%dma_start3A_51 : memref<128x128xf32, #tpu.memory_space<vmem_shared>>) target_semaphore(%run_scoped3A : memref<!tpu.dma_semaphore, #tpu.memory_space<semaphore_mem>>)
      %dma_wait3A = arith.constant 0 : i32
      %dma_wait3A_52 = tpu.memref_slice %arg6[%add3A_15, %dma_wait3A] : memref<10240x128xf32, #tpu.memory_space<vmem_shared>> -> memref<128x128xf32, #tpu.memory_space<vmem_shared>>
      %dma_wait3A_53 = arith.constant 0 : i32
      %dma_wait3A_54 = tpu.memref_slice %arg6[%add3A_15, %dma_wait3A_53] : memref<10240x128xf32, #tpu.memory_space<vmem_shared>> -> memref<128x128xf32, #tpu.memory_space<vmem_shared>>
      tpu.wait_dma2 semaphore(%run_scoped3A : memref<!tpu.dma_semaphore, #tpu.memory_space<semaphore_mem>>) src(%arg5 : memref<128x128xf32, #tpu.memory_space<vmem>>) dst(%dma_wait3A_54 : memref<128x128xf32, #tpu.memory_space<vmem_shared>>)
      tpu.yield
    }) : () -> ()
    %mul3A_16 = arith.constant 640 : i32
    %mul3A_17 = arith.muli %arg1, %mul3A_16 : i32
    %add3A_18 = arith.constant 256 : i32
    %add3A_19 = arith.addi %mul3A_17, %add3A_18 : i32
    "tpu.region"() ({
      %run_scoped3A = tpu.sem_alloc : memref<!tpu.dma_semaphore, #tpu.memory_space<semaphore_mem>>
      %dma_start3A = arith.constant 0 : i32
      %dma_start3A_49 = tpu.memref_slice %arg6[%add3A_19, %dma_start3A] : memref<10240x128xf32, #tpu.memory_space<vmem_shared>> -> memref<128x128xf32, #tpu.memory_space<vmem_shared>>
      %dma_start3A_50 = arith.constant 0 : i32
      %dma_start3A_51 = tpu.memref_slice %arg6[%add3A_19, %dma_start3A_50] : memref<10240x128xf32, #tpu.memory_space<vmem_shared>> -> memref<128x128xf32, #tpu.memory_space<vmem_shared>>
      tpu.enqueue_dma source(%arg5 : memref<128x128xf32, #tpu.memory_space<vmem>>) target(%dma_start3A_51 : memref<128x128xf32, #tpu.memory_space<vmem_shared>>) target_semaphore(%run_scoped3A : memref<!tpu.dma_semaphore, #tpu.memory_space<semaphore_mem>>)
      %dma_wait3A = arith.constant 0 : i32
      %dma_wait3A_52 = tpu.memref_slice %arg6[%add3A_19, %dma_wait3A] : memref<10240x128xf32, #tpu.memory_space<vmem_shared>> -> memref<128x128xf32, #tpu.memory_space<vmem_shared>>
      %dma_wait3A_53 = arith.constant 0 : i32
      %dma_wait3A_54 = tpu.memref_slice %arg6[%add3A_19, %dma_wait3A_53] : memref<10240x128xf32, #tpu.memory_space<vmem_shared>> -> memref<128x128xf32, #tpu.memory_space<vmem_shared>>
      tpu.wait_dma2 semaphore(%run_scoped3A : memref<!tpu.dma_semaphore, #tpu.memory_space<semaphore_mem>>) src(%arg5 : memref<128x128xf32, #tpu.memory_space<vmem>>) dst(%dma_wait3A_54 : memref<128x128xf32, #tpu.memory_space<vmem_shared>>)
      tpu.yield
    }) : () -> ()
    %mul3A_20 = arith.constant 640 : i32
    %mul3A_21 = arith.muli %arg1, %mul3A_20 : i32
    %add3A_22 = arith.constant 384 : i32
    %add3A_23 = arith.addi %mul3A_21, %add3A_22 : i32
    "tpu.region"() ({
      %run_scoped3A = tpu.sem_alloc : memref<!tpu.dma_semaphore, #tpu.memory_space<semaphore_mem>>
      %dma_start3A = arith.constant 0 : i32
      %dma_start3A_49 = tpu.memref_slice %arg6[%add3A_23, %dma_start3A] : memref<10240x128xf32, #tpu.memory_space<vmem_shared>> -> memref<128x128xf32, #tpu.memory_space<vmem_shared>>
      %dma_start3A_50 = arith.constant 0 : i32
      %dma_start3A_51 = tpu.memref_slice %arg6[%add3A_23, %dma_start3A_50] : memref<10240x128xf32, #tpu.memory_space<vmem_shared>> -> memref<128x128xf32, #tpu.memory_space<vmem_shared>>
      tpu.enqueue_dma source(%arg5 : memref<128x128xf32, #tpu.memory_space<vmem>>) target(%dma_start3A_51 : memref<128x128xf32, #tpu.memory_space<vmem_shared>>) target_semaphore(%run_scoped3A : memref<!tpu.dma_semaphore, #tpu.memory_space<semaphore_mem>>)
      %dma_wait3A = arith.constant 0 : i32
      %dma_wait3A_52 = tpu.memref_slice %arg6[%add3A_23, %dma_wait3A] : memref<10240x128xf32, #tpu.memory_space<vmem_shared>> -> memref<128x128xf32, #tpu.memory_space<vmem_shared>>
      %dma_wait3A_53 = arith.constant 0 : i32
      %dma_wait3A_54 = tpu.memref_slice %arg6[%add3A_23, %dma_wait3A_53] : memref<10240x128xf32, #tpu.memory_space<vmem_shared>> -> memref<128x128xf32, #tpu.memory_space<vmem_shared>>
      tpu.wait_dma2 semaphore(%run_scoped3A : memref<!tpu.dma_semaphore, #tpu.memory_space<semaphore_mem>>) src(%arg5 : memref<128x128xf32, #tpu.memory_space<vmem>>) dst(%dma_wait3A_54 : memref<128x128xf32, #tpu.memory_space<vmem_shared>>)
      tpu.yield
    }) : () -> ()
    %mul3A_24 = arith.constant 640 : i32
    %mul3A_25 = arith.muli %arg1, %mul3A_24 : i32
    %add3A_26 = arith.constant 512 : i32
    %add3A_27 = arith.addi %mul3A_25, %add3A_26 : i32
    "tpu.region"() ({
      %run_scoped3A = tpu.sem_alloc : memref<!tpu.dma_semaphore, #tpu.memory_space<semaphore_mem>>
      %dma_start3A = arith.constant 0 : i32
      %dma_start3A_49 = tpu.memref_slice %arg6[%add3A_27, %dma_start3A] : memref<10240x128xf32, #tpu.memory_space<vmem_shared>> -> memref<128x128xf32, #tpu.memory_space<vmem_shared>>
      %dma_start3A_50 = arith.constant 0 : i32
      %dma_start3A_51 = tpu.memref_slice %arg6[%add3A_27, %dma_start3A_50] : memref<10240x128xf32, #tpu.memory_space<vmem_shared>> -> memref<128x128xf32, #tpu.memory_space<vmem_shared>>
      tpu.enqueue_dma source(%arg5 : memref<128x128xf32, #tpu.memory_space<vmem>>) target(%dma_start3A_51 : memref<128x128xf32, #tpu.memory_space<vmem_shared>>) target_semaphore(%run_scoped3A : memref<!tpu.dma_semaphore, #tpu.memory_space<semaphore_mem>>)
      %dma_wait3A = arith.constant 0 : i32
      %dma_wait3A_52 = tpu.memref_slice %arg6[%add3A_27, %dma_wait3A] : memref<10240x128xf32, #tpu.memory_space<vmem_shared>> -> memref<128x128xf32, #tpu.memory_space<vmem_shared>>
      %dma_wait3A_53 = arith.constant 0 : i32
      %dma_wait3A_54 = tpu.memref_slice %arg6[%add3A_27, %dma_wait3A_53] : memref<10240x128xf32, #tpu.memory_space<vmem_shared>> -> memref<128x128xf32, #tpu.memory_space<vmem_shared>>
      tpu.wait_dma2 semaphore(%run_scoped3A : memref<!tpu.dma_semaphore, #tpu.memory_space<semaphore_mem>>) src(%arg5 : memref<128x128xf32, #tpu.memory_space<vmem>>) dst(%dma_wait3A_54 : memref<128x128xf32, #tpu.memory_space<vmem_shared>>)
      tpu.yield
    }) : () -> ()
    %broadcast_in_dim3A_28 = arith.constant 1.000000e+00 : f32
    %broadcast_in_dim3A_29 = vector.broadcast %broadcast_in_dim3A_28 : f32 to vector<16xf32>
    %scan3A_30 = arith.constant 0 : i32
    %scan3A_31 = arith.constant 0 : i32
    %scan3A_32 = arith.constant 128 : i32
    %scan3A_33 = arith.addi %scan3A_31, %scan3A_32 : i32
    %scan3A_34 = arith.constant 1 : i32
    %scan3A_35 = scf.for %scan3A_49 = %scan3A_31 to %scan3A_33 step %scan3A_34 iter_args(%scan3A_50 = %scan3A_30) -> (i32)  : i32 {
      %swap3A = arith.index_cast %scan3A_49 : i32 to index
      %swap3A_51 = arith.constant 0 : index
      %swap3A_52 = tpu.vector_load %arg5[%swap3A, %swap3A_51] {strides = array<i32>} : memref<128x128xf32, #tpu.memory_space<vmem>>, vector<1x16xf32>,
      %swap3A_53 = vector.shape_cast %swap3A_52 : vector<1x16xf32> to vector<16xf32>
      %swap3A_54 = vector.shape_cast %broadcast_in_dim3A_29 : vector<16xf32> to vector<1x16xf32>
      tpu.vector_store %arg5[%swap3A, %swap3A_51], %swap3A_54 {strides = array<i32>} : memref<128x128xf32, #tpu.memory_space<vmem>>, vector<1x16xf32>,
      %swap3A_55 = arith.index_cast %scan3A_49 : i32 to index
      %swap3A_56 = arith.constant 16 : index
      %swap3A_57 = tpu.vector_load %arg5[%swap3A_55, %swap3A_56] {strides = array<i32>} : memref<128x128xf32, #tpu.memory_space<vmem>>, vector<1x16xf32>,
      %swap3A_58 = vector.shape_cast %swap3A_57 : vector<1x16xf32> to vector<16xf32>
      %swap3A_59 = vector.shape_cast %broadcast_in_dim3A_29 : vector<16xf32> to vector<1x16xf32>
      tpu.vector_store %arg5[%swap3A_55, %swap3A_56], %swap3A_59 {strides = array<i32>} : memref<128x128xf32, #tpu.memory_space<vmem>>, vector<1x16xf32>,
      %swap3A_60 = arith.index_cast %scan3A_49 : i32 to index
      %swap3A_61 = arith.constant 32 : index
      %swap3A_62 = tpu.vector_load %arg5[%swap3A_60, %swap3A_61] {strides = array<i32>} : memref<128x128xf32, #tpu.memory_space<vmem>>, vector<1x16xf32>,
      %swap3A_63 = vector.shape_cast %swap3A_62 : vector<1x16xf32> to vector<16xf32>
      %swap3A_64 = vector.shape_cast %broadcast_in_dim3A_29 : vector<16xf32> to vector<1x16xf32>
      tpu.vector_store %arg5[%swap3A_60, %swap3A_61], %swap3A_64 {strides = array<i32>} : memref<128x128xf32, #tpu.memory_space<vmem>>, vector<1x16xf32>,
      %swap3A_65 = arith.index_cast %scan3A_49 : i32 to index
      %swap3A_66 = arith.constant 48 : index
      %swap3A_67 = tpu.vector_load %arg5[%swap3A_65, %swap3A_66] {strides = array<i32>} : memref<128x128xf32, #tpu.memory_space<vmem>>, vector<1x16xf32>,
      %swap3A_68 = vector.shape_cast %swap3A_67 : vector<1x16xf32> to vector<16xf32>
      %swap3A_69 = vector.shape_cast %broadcast_in_dim3A_29 : vector<16xf32> to vector<1x16xf32>
      tpu.vector_store %arg5[%swap3A_65, %swap3A_66], %swap3A_69 {strides = array<i32>} : memref<128x128xf32, #tpu.memory_space<vmem>>, vector<1x16xf32>,
      %swap3A_70 = arith.index_cast %scan3A_49 : i32 to index
      %swap3A_71 = arith.constant 64 : index
      %swap3A_72 = tpu.vector_load %arg5[%swap3A_70, %swap3A_71] {strides = array<i32>} : memref<128x128xf32, #tpu.memory_space<vmem>>, vector<1x16xf32>,
      %swap3A_73 = vector.shape_cast %swap3A_72 : vector<1x16xf32> to vector<16xf32>
      %swap3A_74 = vector.shape_cast %broadcast_in_dim3A_29 : vector<16xf32> to vector<1x16xf32>
      tpu.vector_store %arg5[%swap3A_70, %swap3A_71], %swap3A_74 {strides = array<i32>} : memref<128x128xf32, #tpu.memory_space<vmem>>, vector<1x16xf32>,
      %swap3A_75 = arith.index_cast %scan3A_49 : i32 to index
      %swap3A_76 = arith.constant 80 : index
      %swap3A_77 = tpu.vector_load %arg5[%swap3A_75, %swap3A_76] {strides = array<i32>} : memref<128x128xf32, #tpu.memory_space<vmem>>, vector<1x16xf32>,
      %swap3A_78 = vector.shape_cast %swap3A_77 : vector<1x16xf32> to vector<16xf32>
      %swap3A_79 = vector.shape_cast %broadcast_in_dim3A_29 : vector<16xf32> to vector<1x16xf32>
      tpu.vector_store %arg5[%swap3A_75, %swap3A_76], %swap3A_79 {strides = array<i32>} : memref<128x128xf32, #tpu.memory_space<vmem>>, vector<1x16xf32>,
      %swap3A_80 = arith.index_cast %scan3A_49 : i32 to index
      %swap3A_81 = arith.constant 96 : index
      %swap3A_82 = tpu.vector_load %arg5[%swap3A_80, %swap3A_81] {strides = array<i32>} : memref<128x128xf32, #tpu.memory_space<vmem>>, vector<1x16xf32>,
      %swap3A_83 = vector.shape_cast %swap3A_82 : vector<1x16xf32> to vector<16xf32>
      %swap3A_84 = vector.shape_cast %broadcast_in_dim3A_29 : vector<16xf32> to vector<1x16xf32>
      tpu.vector_store %arg5[%swap3A_80, %swap3A_81], %swap3A_84 {strides = array<i32>} : memref<128x128xf32, #tpu.memory_space<vmem>>, vector<1x16xf32>,
      %swap3A_85 = arith.index_cast %scan3A_49 : i32 to index
      %swap3A_86 = arith.constant 112 : index
      %swap3A_87 = tpu.vector_load %arg5[%swap3A_85, %swap3A_86] {strides = array<i32>} : memref<128x128xf32, #tpu.memory_space<vmem>>, vector<1x16xf32>,
      %swap3A_88 = vector.shape_cast %swap3A_87 : vector<1x16xf32> to vector<16xf32>
      %swap3A_89 = vector.shape_cast %broadcast_in_dim3A_29 : vector<16xf32> to vector<1x16xf32>
      tpu.vector_store %arg5[%swap3A_85, %swap3A_86], %swap3A_89 {strides = array<i32>} : memref<128x128xf32, #tpu.memory_space<vmem>>, vector<1x16xf32>,
      %scan3A_90 = arith.constant 0 : i32
      scf.yield %scan3A_90 : i32
    }
    %scan3A_36 = arith.constant 128 : i32
    "tpu.region"() ({
      %run_scoped3A = tpu.sem_alloc : memref<!tpu.dma_semaphore, #tpu.memory_space<semaphore_mem>>
      %dma_start3A = arith.constant 0 : i32
      %dma_start3A_49 = arith.constant 0 : i32
      %dma_start3A_50 = tpu.memref_slice %arg2[%add3A, %dma_start3A, %dma_start3A_49] : memref<32x80x128xi32, #tpu.memory_space<hbm>> -> memref<1x80x128xi32, #tpu.memory_space<hbm>>
      %dma_start3A_51 = tpu.memref_squeeze %dma_start3A_50 : memref<1x80x128xi32, #tpu.memory_space<hbm>> -> memref<80x128xi32, #tpu.memory_space<hbm>>
      %dma_start3A_52 = arith.constant 0 : i32
      %dma_start3A_53 = arith.constant 0 : i32
      %dma_start3A_54 = tpu.memref_slice %arg2[%add3A, %dma_start3A_52, %dma_start3A_53] : memref<32x80x128xi32, #tpu.memory_space<hbm>> -> memref<1x80x128xi32, #tpu.memory_space<hbm>>
      %dma_start3A_55 = tpu.memref_squeeze %dma_start3A_54 : memref<1x80x128xi32, #tpu.memory_space<hbm>> -> memref<80x128xi32, #tpu.memory_space<hbm>>
      tpu.enqueue_dma source(%dma_start3A_55 : memref<80x128xi32, #tpu.memory_space<hbm>>) target(%arg4 : memref<80x128xi32, #tpu.memory_space<vmem>>) target_semaphore(%run_scoped3A : memref<!tpu.dma_semaphore, #tpu.memory_space<semaphore_mem>>)
      %dma_wait3A = arith.constant 0 : i32
      %dma_wait3A_56 = arith.constant 0 : i32
      %dma_wait3A_57 = tpu.memref_slice %arg2[%add3A, %dma_wait3A, %dma_wait3A_56] : memref<32x80x128xi32, #tpu.memory_space<hbm>> -> memref<1x80x128xi32, #tpu.memory_space<hbm>>
      %dma_wait3A_58 = tpu.memref_squeeze %dma_wait3A_57 : memref<1x80x128xi32, #tpu.memory_space<hbm>> -> memref<80x128xi32, #tpu.memory_space<hbm>>
      %dma_wait3A_59 = arith.constant 0 : i32
      %dma_wait3A_60 = arith.constant 0 : i32
      %dma_wait3A_61 = tpu.memref_slice %arg2[%add3A, %dma_wait3A_59, %dma_wait3A_60] : memref<32x80x128xi32, #tpu.memory_space<hbm>> -> memref<1x80x128xi32, #tpu.memory_space<hbm>>
      %dma_wait3A_62 = tpu.memref_squeeze %dma_wait3A_61 : memref<1x80x128xi32, #tpu.memory_space<hbm>> -> memref<80x128xi32, #tpu.memory_space<hbm>>
      tpu.wait_dma2 semaphore(%run_scoped3A : memref<!tpu.dma_semaphore, #tpu.memory_space<semaphore_mem>>) src(%dma_wait3A_62 : memref<80x128xi32, #tpu.memory_space<hbm>>) dst(%arg4 : memref<80x128xi32, #tpu.memory_space<vmem>>)
      tpu.yield
    }) : () -> ()
    %barrier3A = arith.constant 0 : index
    tpu.barrier barrier_id(%barrier3A)
    %scan3A_37 = arith.constant 0 : i32
    %scan3A_38 = arith.constant 0 : i32
    %scan3A_39 = arith.constant 80 : i32
    %scan3A_40 = arith.addi %scan3A_38, %scan3A_39 : i32
    %scan3A_41 = arith.constant 1 : i32
    %scan3A_42 = scf.for %scan3A_49 = %scan3A_38 to %scan3A_40 step %scan3A_41 iter_args(%scan3A_50 = %scan3A_37) -> (i32)  : i32 {
      "tpu.region"() ({
        %run_scoped3A = tpu.sem_alloc : memref<!tpu.dma_semaphore, #tpu.memory_space<semaphore_mem>>
        %dma_start3A = arith.constant 0 : i32
        %dma_start3A_52 = tpu.memref_slice %arg4[%scan3A_49, %dma_start3A] : memref<80x128xi32, #tpu.memory_space<vmem>> -> memref<1x128xi32, #tpu.memory_space<vmem>>
        %dma_start3A_53 = tpu.memref_squeeze %dma_start3A_52 : memref<1x128xi32, #tpu.memory_space<vmem>> -> memref<128xi32, #tpu.memory_space<vmem>>
        %dma_start3A_54 = arith.constant 0 : i32
        %dma_start3A_55 = arith.constant 0 : i32
        %dma_start3A_56 = tpu.memref_slice %arg6[%dma_start3A_54, %dma_start3A_55] : memref<10240x128xf32, #tpu.memory_space<vmem_shared>> -> memref<10240x128xf32, #tpu.memory_space<vmem_shared>>
        tpu.enqueue_indirect_dma source(%arg5 : memref<128x128xf32, #tpu.memory_space<vmem>>) target(%dma_start3A_56 : memref<10240x128xf32, #tpu.memory_space<vmem_shared>>) offsets(%dma_start3A_53 : memref<128xi32, #tpu.memory_space<vmem>>) semaphore(%run_scoped3A : memref<!tpu.dma_semaphore, #tpu.memory_space<semaphore_mem>>) {add = true}
        %dma_wait3A = arith.constant 0 : i32
        %dma_wait3A_57 = tpu.memref_slice %arg4[%scan3A_49, %dma_wait3A] : memref<80x128xi32, #tpu.memory_space<vmem>> -> memref<1x128xi32, #tpu.memory_space<vmem>>
        %dma_wait3A_58 = tpu.memref_squeeze %dma_wait3A_57 : memref<1x128xi32, #tpu.memory_space<vmem>> -> memref<128xi32, #tpu.memory_space<vmem>>
        %dma_wait3A_59 = arith.constant 0 : i32
        %dma_wait3A_60 = arith.constant 0 : i32
        %dma_wait3A_61 = tpu.memref_slice %arg6[%dma_wait3A_59, %dma_wait3A_60] : memref<10240x128xf32, #tpu.memory_space<vmem_shared>> -> memref<10240x128xf32, #tpu.memory_space<vmem_shared>>
        tpu.wait_indirect_dma semaphore(%run_scoped3A : memref<!tpu.dma_semaphore, #tpu.memory_space<semaphore_mem>>) src(%arg5 : memref<128x128xf32, #tpu.memory_space<vmem>>) dst(%dma_wait3A_61 : memref<10240x128xf32, #tpu.memory_space<vmem_shared>>)
        tpu.yield
      }) : () -> ()
      %scan3A_51 = arith.constant 0 : i32
      scf.yield %scan3A_51 : i32
    }
    %scan3A_43 = arith.constant 80 : i32
    %barrier3A_44 = arith.constant 0 : index
    tpu.barrier barrier_id(%barrier3A_44)
    %mul3A_45 = arith.constant 640 : i32
    %mul3A_46 = arith.muli %arg1, %mul3A_45 : i32
    %mul3A_47 = arith.constant 640 : i32
    %mul3A_48 = arith.muli %arg1, %mul3A_47 : i32
    "tpu.region"() ({
      %run_scoped3A = tpu.sem_alloc : memref<!tpu.dma_semaphore, #tpu.memory_space<semaphore_mem>>
      %dma_start3A = arith.constant 0 : i32
      %dma_start3A_49 = tpu.memref_slice %arg3[%arg0, %mul3A_48, %dma_start3A] : memref<2x10240x128xf32, #tpu.memory_space<hbm>> -> memref<1x640x128xf32, #tpu.memory_space<hbm>>
      %dma_start3A_50 = tpu.memref_squeeze %dma_start3A_49 : memref<1x640x128xf32, #tpu.memory_space<hbm>> -> memref<640x128xf32, #tpu.memory_space<hbm>>
      %dma_start3A_51 = arith.constant 0 : i32
      %dma_start3A_52 = tpu.memref_slice %arg6[%mul3A_46, %dma_start3A_51] : memref<10240x128xf32, #tpu.memory_space<vmem_shared>> -> memref<640x128xf32, #tpu.memory_space<vmem_shared>>
      tpu.enqueue_dma source(%dma_start3A_52 : memref<640x128xf32, #tpu.memory_space<vmem_shared>>) target(%dma_start3A_50 : memref<640x128xf32, #tpu.memory_space<hbm>>) target_semaphore(%run_scoped3A : memref<!tpu.dma_semaphore, #tpu.memory_space<semaphore_mem>>)
      %dma_wait3A = arith.constant 0 : i32
      %dma_wait3A_53 = tpu.memref_slice %arg3[%arg0, %mul3A_48, %dma_wait3A] : memref<2x10240x128xf32, #tpu.memory_space<hbm>> -> memref<1x640x128xf32, #tpu.memory_space<hbm>>
      %dma_wait3A_54 = tpu.memref_squeeze %dma_wait3A_53 : memref<1x640x128xf32, #tpu.memory_space<hbm>> -> memref<640x128xf32, #tpu.memory_space<hbm>>
      %dma_wait3A_55 = arith.constant 0 : i32
      %dma_wait3A_56 = tpu.memref_slice %arg6[%mul3A_46, %dma_wait3A_55] : memref<10240x128xf32, #tpu.memory_space<vmem_shared>> -> memref<640x128xf32, #tpu.memory_space<vmem_shared>>
      tpu.wait_dma2 semaphore(%run_scoped3A : memref<!tpu.dma_semaphore, #tpu.memory_space<semaphore_mem>>) src(%dma_wait3A_56 : memref<640x128xf32, #tpu.memory_space<vmem_shared>>) dst(%dma_wait3A_54 : memref<640x128xf32, #tpu.memory_space<hbm>>)
      tpu.yield
    }) : () -> ()
    return
  }
}

#map = affine_map<(d0, d1) -> (0, 0)>
#map1 = affine_map<(d0, d1) -> (0, 0, 0)>
module attributes {stable_mosaic.version = 14 : i64} {
  func.func @_edge_body(%arg0: i32, %arg1: i32, %arg2: memref<10240x128xf32, #tpu.memory_space<hbm>>, %arg3: memref<2560x128xi32, #tpu.memory_space<hbm>>, %arg4: memref<2560x128xi32, #tpu.memory_space<hbm>>, %arg5: memref<2x10240x128xf32, #tpu.memory_space<hbm>>, %arg6: memref<40x128xi32, #tpu.memory_space<vmem>>, %arg7: memref<40x128xi32, #tpu.memory_space<vmem>>, %arg8: memref<128x128xf32, #tpu.memory_space<vmem>>, %arg9: memref<128x128xf32, #tpu.memory_space<vmem>>, %arg10: memref<10240x128xf32, #tpu.memory_space<vmem_shared>>, %arg11: memref<!tpu.dma_semaphore, #tpu.memory_space<semaphore_mem>>, %arg12: memref<!tpu.dma_semaphore, #tpu.memory_space<semaphore_mem>>) attributes {dimension_semantics = [#tpu.dimension_semantics<core_parallel>, #tpu.dimension_semantics<subcore_parallel>], iteration_bounds = array<i64: 2, 16>, scalar_prefetch = 0 : i64, scratch_operands = 7 : i64, tpu.core_type = #tpu.core_type<sc_vector_subcore>, window_params = [{transform_indices = #map}, {transform_indices = #map}, {transform_indices = #map}, {transform_indices = #map1}]} {
    %broadcast_in_dim3A = arith.constant 0.000000e+00 : f32
    %broadcast_in_dim3A_0 = vector.broadcast %broadcast_in_dim3A : f32 to vector<16xf32>
    %scan3A = arith.constant 0 : i32
    %scan3A_1 = arith.constant 0 : i32
    %scan3A_2 = arith.constant 128 : i32
    %scan3A_3 = arith.addi %scan3A_1, %scan3A_2 : i32
    %scan3A_4 = arith.constant 1 : i32
    %scan3A_5 = scf.for %scan3A_42 = %scan3A_1 to %scan3A_3 step %scan3A_4 iter_args(%scan3A_43 = %scan3A) -> (i32)  : i32 {
      %swap3A = arith.index_cast %scan3A_42 : i32 to index
      %swap3A_44 = arith.constant 0 : index
      %swap3A_45 = tpu.vector_load %arg8[%swap3A, %swap3A_44] {strides = array<i32>} : memref<128x128xf32, #tpu.memory_space<vmem>>, vector<1x16xf32>,
      %swap3A_46 = vector.shape_cast %swap3A_45 : vector<1x16xf32> to vector<16xf32>
      %swap3A_47 = vector.shape_cast %broadcast_in_dim3A_0 : vector<16xf32> to vector<1x16xf32>
      tpu.vector_store %arg8[%swap3A, %swap3A_44], %swap3A_47 {strides = array<i32>} : memref<128x128xf32, #tpu.memory_space<vmem>>, vector<1x16xf32>,
      %swap3A_48 = arith.index_cast %scan3A_42 : i32 to index
      %swap3A_49 = arith.constant 16 : index
      %swap3A_50 = tpu.vector_load %arg8[%swap3A_48, %swap3A_49] {strides = array<i32>} : memref<128x128xf32, #tpu.memory_space<vmem>>, vector<1x16xf32>,
      %swap3A_51 = vector.shape_cast %swap3A_50 : vector<1x16xf32> to vector<16xf32>
      %swap3A_52 = vector.shape_cast %broadcast_in_dim3A_0 : vector<16xf32> to vector<1x16xf32>
      tpu.vector_store %arg8[%swap3A_48, %swap3A_49], %swap3A_52 {strides = array<i32>} : memref<128x128xf32, #tpu.memory_space<vmem>>, vector<1x16xf32>,
      %swap3A_53 = arith.index_cast %scan3A_42 : i32 to index
      %swap3A_54 = arith.constant 32 : index
      %swap3A_55 = tpu.vector_load %arg8[%swap3A_53, %swap3A_54] {strides = array<i32>} : memref<128x128xf32, #tpu.memory_space<vmem>>, vector<1x16xf32>,
      %swap3A_56 = vector.shape_cast %swap3A_55 : vector<1x16xf32> to vector<16xf32>
      %swap3A_57 = vector.shape_cast %broadcast_in_dim3A_0 : vector<16xf32> to vector<1x16xf32>
      tpu.vector_store %arg8[%swap3A_53, %swap3A_54], %swap3A_57 {strides = array<i32>} : memref<128x128xf32, #tpu.memory_space<vmem>>, vector<1x16xf32>,
      %swap3A_58 = arith.index_cast %scan3A_42 : i32 to index
      %swap3A_59 = arith.constant 48 : index
      %swap3A_60 = tpu.vector_load %arg8[%swap3A_58, %swap3A_59] {strides = array<i32>} : memref<128x128xf32, #tpu.memory_space<vmem>>, vector<1x16xf32>,
      %swap3A_61 = vector.shape_cast %swap3A_60 : vector<1x16xf32> to vector<16xf32>
      %swap3A_62 = vector.shape_cast %broadcast_in_dim3A_0 : vector<16xf32> to vector<1x16xf32>
      tpu.vector_store %arg8[%swap3A_58, %swap3A_59], %swap3A_62 {strides = array<i32>} : memref<128x128xf32, #tpu.memory_space<vmem>>, vector<1x16xf32>,
      %swap3A_63 = arith.index_cast %scan3A_42 : i32 to index
      %swap3A_64 = arith.constant 64 : index
      %swap3A_65 = tpu.vector_load %arg8[%swap3A_63, %swap3A_64] {strides = array<i32>} : memref<128x128xf32, #tpu.memory_space<vmem>>, vector<1x16xf32>,
      %swap3A_66 = vector.shape_cast %swap3A_65 : vector<1x16xf32> to vector<16xf32>
      %swap3A_67 = vector.shape_cast %broadcast_in_dim3A_0 : vector<16xf32> to vector<1x16xf32>
      tpu.vector_store %arg8[%swap3A_63, %swap3A_64], %swap3A_67 {strides = array<i32>} : memref<128x128xf32, #tpu.memory_space<vmem>>, vector<1x16xf32>,
      %swap3A_68 = arith.index_cast %scan3A_42 : i32 to index
      %swap3A_69 = arith.constant 80 : index
      %swap3A_70 = tpu.vector_load %arg8[%swap3A_68, %swap3A_69] {strides = array<i32>} : memref<128x128xf32, #tpu.memory_space<vmem>>, vector<1x16xf32>,
      %swap3A_71 = vector.shape_cast %swap3A_70 : vector<1x16xf32> to vector<16xf32>
      %swap3A_72 = vector.shape_cast %broadcast_in_dim3A_0 : vector<16xf32> to vector<1x16xf32>
      tpu.vector_store %arg8[%swap3A_68, %swap3A_69], %swap3A_72 {strides = array<i32>} : memref<128x128xf32, #tpu.memory_space<vmem>>, vector<1x16xf32>,
      %swap3A_73 = arith.index_cast %scan3A_42 : i32 to index
      %swap3A_74 = arith.constant 96 : index
      %swap3A_75 = tpu.vector_load %arg8[%swap3A_73, %swap3A_74] {strides = array<i32>} : memref<128x128xf32, #tpu.memory_space<vmem>>, vector<1x16xf32>,
      %swap3A_76 = vector.shape_cast %swap3A_75 : vector<1x16xf32> to vector<16xf32>
      %swap3A_77 = vector.shape_cast %broadcast_in_dim3A_0 : vector<16xf32> to vector<1x16xf32>
      tpu.vector_store %arg8[%swap3A_73, %swap3A_74], %swap3A_77 {strides = array<i32>} : memref<128x128xf32, #tpu.memory_space<vmem>>, vector<1x16xf32>,
      %swap3A_78 = arith.index_cast %scan3A_42 : i32 to index
      %swap3A_79 = arith.constant 112 : index
      %swap3A_80 = tpu.vector_load %arg8[%swap3A_78, %swap3A_79] {strides = array<i32>} : memref<128x128xf32, #tpu.memory_space<vmem>>, vector<1x16xf32>,
      %swap3A_81 = vector.shape_cast %swap3A_80 : vector<1x16xf32> to vector<16xf32>
      %swap3A_82 = vector.shape_cast %broadcast_in_dim3A_0 : vector<16xf32> to vector<1x16xf32>
      tpu.vector_store %arg8[%swap3A_78, %swap3A_79], %swap3A_82 {strides = array<i32>} : memref<128x128xf32, #tpu.memory_space<vmem>>, vector<1x16xf32>,
      %scan3A_83 = arith.constant 0 : i32
      scf.yield %scan3A_83 : i32
    }
    %scan3A_6 = arith.constant 128 : i32
    %mul3A = arith.constant 640 : i32
    %mul3A_7 = arith.muli %arg1, %mul3A : i32
    %add3A = arith.constant 0 : i32
    %add3A_8 = arith.addi %mul3A_7, %add3A : i32
    "tpu.region"() ({
      %run_scoped3A = tpu.sem_alloc : memref<!tpu.dma_semaphore, #tpu.memory_space<semaphore_mem>>
      %dma_start3A = arith.constant 0 : i32
      %dma_start3A_42 = tpu.memref_slice %arg10[%add3A_8, %dma_start3A] : memref<10240x128xf32, #tpu.memory_space<vmem_shared>> -> memref<128x128xf32, #tpu.memory_space<vmem_shared>>
      %dma_start3A_43 = arith.constant 0 : i32
      %dma_start3A_44 = tpu.memref_slice %arg10[%add3A_8, %dma_start3A_43] : memref<10240x128xf32, #tpu.memory_space<vmem_shared>> -> memref<128x128xf32, #tpu.memory_space<vmem_shared>>
      tpu.enqueue_dma source(%arg8 : memref<128x128xf32, #tpu.memory_space<vmem>>) target(%dma_start3A_44 : memref<128x128xf32, #tpu.memory_space<vmem_shared>>) target_semaphore(%run_scoped3A : memref<!tpu.dma_semaphore, #tpu.memory_space<semaphore_mem>>)
      %dma_wait3A = arith.constant 0 : i32
      %dma_wait3A_45 = tpu.memref_slice %arg10[%add3A_8, %dma_wait3A] : memref<10240x128xf32, #tpu.memory_space<vmem_shared>> -> memref<128x128xf32, #tpu.memory_space<vmem_shared>>
      %dma_wait3A_46 = arith.constant 0 : i32
      %dma_wait3A_47 = tpu.memref_slice %arg10[%add3A_8, %dma_wait3A_46] : memref<10240x128xf32, #tpu.memory_space<vmem_shared>> -> memref<128x128xf32, #tpu.memory_space<vmem_shared>>
      tpu.wait_dma2 semaphore(%run_scoped3A : memref<!tpu.dma_semaphore, #tpu.memory_space<semaphore_mem>>) src(%arg8 : memref<128x128xf32, #tpu.memory_space<vmem>>) dst(%dma_wait3A_47 : memref<128x128xf32, #tpu.memory_space<vmem_shared>>)
      tpu.yield
    }) : () -> ()
    %mul3A_9 = arith.constant 640 : i32
    %mul3A_10 = arith.muli %arg1, %mul3A_9 : i32
    %add3A_11 = arith.constant 128 : i32
    %add3A_12 = arith.addi %mul3A_10, %add3A_11 : i32
    "tpu.region"() ({
      %run_scoped3A = tpu.sem_alloc : memref<!tpu.dma_semaphore, #tpu.memory_space<semaphore_mem>>
      %dma_start3A = arith.constant 0 : i32
      %dma_start3A_42 = tpu.memref_slice %arg10[%add3A_12, %dma_start3A] : memref<10240x128xf32, #tpu.memory_space<vmem_shared>> -> memref<128x128xf32, #tpu.memory_space<vmem_shared>>
      %dma_start3A_43 = arith.constant 0 : i32
      %dma_start3A_44 = tpu.memref_slice %arg10[%add3A_12, %dma_start3A_43] : memref<10240x128xf32, #tpu.memory_space<vmem_shared>> -> memref<128x128xf32, #tpu.memory_space<vmem_shared>>
      tpu.enqueue_dma source(%arg8 : memref<128x128xf32, #tpu.memory_space<vmem>>) target(%dma_start3A_44 : memref<128x128xf32, #tpu.memory_space<vmem_shared>>) target_semaphore(%run_scoped3A : memref<!tpu.dma_semaphore, #tpu.memory_space<semaphore_mem>>)
      %dma_wait3A = arith.constant 0 : i32
      %dma_wait3A_45 = tpu.memref_slice %arg10[%add3A_12, %dma_wait3A] : memref<10240x128xf32, #tpu.memory_space<vmem_shared>> -> memref<128x128xf32, #tpu.memory_space<vmem_shared>>
      %dma_wait3A_46 = arith.constant 0 : i32
      %dma_wait3A_47 = tpu.memref_slice %arg10[%add3A_12, %dma_wait3A_46] : memref<10240x128xf32, #tpu.memory_space<vmem_shared>> -> memref<128x128xf32, #tpu.memory_space<vmem_shared>>
      tpu.wait_dma2 semaphore(%run_scoped3A : memref<!tpu.dma_semaphore, #tpu.memory_space<semaphore_mem>>) src(%arg8 : memref<128x128xf32, #tpu.memory_space<vmem>>) dst(%dma_wait3A_47 : memref<128x128xf32, #tpu.memory_space<vmem_shared>>)
      tpu.yield
    }) : () -> ()
    %mul3A_13 = arith.constant 640 : i32
    %mul3A_14 = arith.muli %arg1, %mul3A_13 : i32
    %add3A_15 = arith.constant 256 : i32
    %add3A_16 = arith.addi %mul3A_14, %add3A_15 : i32
    "tpu.region"() ({
      %run_scoped3A = tpu.sem_alloc : memref<!tpu.dma_semaphore, #tpu.memory_space<semaphore_mem>>
      %dma_start3A = arith.constant 0 : i32
      %dma_start3A_42 = tpu.memref_slice %arg10[%add3A_16, %dma_start3A] : memref<10240x128xf32, #tpu.memory_space<vmem_shared>> -> memref<128x128xf32, #tpu.memory_space<vmem_shared>>
      %dma_start3A_43 = arith.constant 0 : i32
      %dma_start3A_44 = tpu.memref_slice %arg10[%add3A_16, %dma_start3A_43] : memref<10240x128xf32, #tpu.memory_space<vmem_shared>> -> memref<128x128xf32, #tpu.memory_space<vmem_shared>>
      tpu.enqueue_dma source(%arg8 : memref<128x128xf32, #tpu.memory_space<vmem>>) target(%dma_start3A_44 : memref<128x128xf32, #tpu.memory_space<vmem_shared>>) target_semaphore(%run_scoped3A : memref<!tpu.dma_semaphore, #tpu.memory_space<semaphore_mem>>)
      %dma_wait3A = arith.constant 0 : i32
      %dma_wait3A_45 = tpu.memref_slice %arg10[%add3A_16, %dma_wait3A] : memref<10240x128xf32, #tpu.memory_space<vmem_shared>> -> memref<128x128xf32, #tpu.memory_space<vmem_shared>>
      %dma_wait3A_46 = arith.constant 0 : i32
      %dma_wait3A_47 = tpu.memref_slice %arg10[%add3A_16, %dma_wait3A_46] : memref<10240x128xf32, #tpu.memory_space<vmem_shared>> -> memref<128x128xf32, #tpu.memory_space<vmem_shared>>
      tpu.wait_dma2 semaphore(%run_scoped3A : memref<!tpu.dma_semaphore, #tpu.memory_space<semaphore_mem>>) src(%arg8 : memref<128x128xf32, #tpu.memory_space<vmem>>) dst(%dma_wait3A_47 : memref<128x128xf32, #tpu.memory_space<vmem_shared>>)
      tpu.yield
    }) : () -> ()
    %mul3A_17 = arith.constant 640 : i32
    %mul3A_18 = arith.muli %arg1, %mul3A_17 : i32
    %add3A_19 = arith.constant 384 : i32
    %add3A_20 = arith.addi %mul3A_18, %add3A_19 : i32
    "tpu.region"() ({
      %run_scoped3A = tpu.sem_alloc : memref<!tpu.dma_semaphore, #tpu.memory_space<semaphore_mem>>
      %dma_start3A = arith.constant 0 : i32
      %dma_start3A_42 = tpu.memref_slice %arg10[%add3A_20, %dma_start3A] : memref<10240x128xf32, #tpu.memory_space<vmem_shared>> -> memref<128x128xf32, #tpu.memory_space<vmem_shared>>
      %dma_start3A_43 = arith.constant 0 : i32
      %dma_start3A_44 = tpu.memref_slice %arg10[%add3A_20, %dma_start3A_43] : memref<10240x128xf32, #tpu.memory_space<vmem_shared>> -> memref<128x128xf32, #tpu.memory_space<vmem_shared>>
      tpu.enqueue_dma source(%arg8 : memref<128x128xf32, #tpu.memory_space<vmem>>) target(%dma_start3A_44 : memref<128x128xf32, #tpu.memory_space<vmem_shared>>) target_semaphore(%run_scoped3A : memref<!tpu.dma_semaphore, #tpu.memory_space<semaphore_mem>>)
      %dma_wait3A = arith.constant 0 : i32
      %dma_wait3A_45 = tpu.memref_slice %arg10[%add3A_20, %dma_wait3A] : memref<10240x128xf32, #tpu.memory_space<vmem_shared>> -> memref<128x128xf32, #tpu.memory_space<vmem_shared>>
      %dma_wait3A_46 = arith.constant 0 : i32
      %dma_wait3A_47 = tpu.memref_slice %arg10[%add3A_20, %dma_wait3A_46] : memref<10240x128xf32, #tpu.memory_space<vmem_shared>> -> memref<128x128xf32, #tpu.memory_space<vmem_shared>>
      tpu.wait_dma2 semaphore(%run_scoped3A : memref<!tpu.dma_semaphore, #tpu.memory_space<semaphore_mem>>) src(%arg8 : memref<128x128xf32, #tpu.memory_space<vmem>>) dst(%dma_wait3A_47 : memref<128x128xf32, #tpu.memory_space<vmem_shared>>)
      tpu.yield
    }) : () -> ()
    %mul3A_21 = arith.constant 640 : i32
    %mul3A_22 = arith.muli %arg1, %mul3A_21 : i32
    %add3A_23 = arith.constant 512 : i32
    %add3A_24 = arith.addi %mul3A_22, %add3A_23 : i32
    "tpu.region"() ({
      %run_scoped3A = tpu.sem_alloc : memref<!tpu.dma_semaphore, #tpu.memory_space<semaphore_mem>>
      %dma_start3A = arith.constant 0 : i32
      %dma_start3A_42 = tpu.memref_slice %arg10[%add3A_24, %dma_start3A] : memref<10240x128xf32, #tpu.memory_space<vmem_shared>> -> memref<128x128xf32, #tpu.memory_space<vmem_shared>>
      %dma_start3A_43 = arith.constant 0 : i32
      %dma_start3A_44 = tpu.memref_slice %arg10[%add3A_24, %dma_start3A_43] : memref<10240x128xf32, #tpu.memory_space<vmem_shared>> -> memref<128x128xf32, #tpu.memory_space<vmem_shared>>
      tpu.enqueue_dma source(%arg8 : memref<128x128xf32, #tpu.memory_space<vmem>>) target(%dma_start3A_44 : memref<128x128xf32, #tpu.memory_space<vmem_shared>>) target_semaphore(%run_scoped3A : memref<!tpu.dma_semaphore, #tpu.memory_space<semaphore_mem>>)
      %dma_wait3A = arith.constant 0 : i32
      %dma_wait3A_45 = tpu.memref_slice %arg10[%add3A_24, %dma_wait3A] : memref<10240x128xf32, #tpu.memory_space<vmem_shared>> -> memref<128x128xf32, #tpu.memory_space<vmem_shared>>
      %dma_wait3A_46 = arith.constant 0 : i32
      %dma_wait3A_47 = tpu.memref_slice %arg10[%add3A_24, %dma_wait3A_46] : memref<10240x128xf32, #tpu.memory_space<vmem_shared>> -> memref<128x128xf32, #tpu.memory_space<vmem_shared>>
      tpu.wait_dma2 semaphore(%run_scoped3A : memref<!tpu.dma_semaphore, #tpu.memory_space<semaphore_mem>>) src(%arg8 : memref<128x128xf32, #tpu.memory_space<vmem>>) dst(%dma_wait3A_47 : memref<128x128xf32, #tpu.memory_space<vmem_shared>>)
      tpu.yield
    }) : () -> ()
    %barrier3A = arith.constant 0 : index
    tpu.barrier barrier_id(%barrier3A)
    %mul3A_25 = arith.constant 2 : i32
    %mul3A_26 = arith.muli %arg1, %mul3A_25 : i32
    %add3A_27 = arith.addi %mul3A_26, %arg0 : i32
    %mul3A_28 = arith.constant 80 : i32
    %mul3A_29 = arith.muli %add3A_27, %mul3A_28 : i32
    %scan3A_30 = arith.constant 0 : i32
    %scan3A_31 = arith.constant 0 : i32
    %scan3A_32 = arith.constant 80 : i32
    %scan3A_33 = arith.addi %scan3A_31, %scan3A_32 : i32
    %scan3A_34 = arith.constant 1 : i32
    %scan3A_35 = scf.for %scan3A_42 = %scan3A_31 to %scan3A_33 step %scan3A_34 iter_args(%scan3A_43 = %scan3A_30) -> (i32)  : i32 {
      %add3A_44 = arith.addi %mul3A_29, %scan3A_42 : i32
      %run_scoped3A = arith.constant 0 : i32
      "tpu.region"() ({
        %run_scoped3A_61 = tpu.sem_alloc : memref<!tpu.dma_semaphore, #tpu.memory_space<semaphore_mem>>
        %dma_start3A_62 = arith.constant 0 : i32
        %dma_start3A_63 = tpu.memref_slice %arg6[%run_scoped3A, %dma_start3A_62] : memref<40x128xi32, #tpu.memory_space<vmem>> -> memref<1x128xi32, #tpu.memory_space<vmem>>
        %dma_start3A_64 = tpu.memref_squeeze %dma_start3A_63 : memref<1x128xi32, #tpu.memory_space<vmem>> -> memref<128xi32, #tpu.memory_space<vmem>>
        %dma_start3A_65 = arith.constant 0 : i32
        %dma_start3A_66 = tpu.memref_slice %arg3[%add3A_44, %dma_start3A_65] : memref<2560x128xi32, #tpu.memory_space<hbm>> -> memref<1x128xi32, #tpu.memory_space<hbm>>
        %dma_start3A_67 = tpu.memref_squeeze %dma_start3A_66 : memref<1x128xi32, #tpu.memory_space<hbm>> -> memref<128xi32, #tpu.memory_space<hbm>>
        %dma_start3A_68 = arith.constant 0 : i32
        %dma_start3A_69 = tpu.memref_slice %arg6[%run_scoped3A, %dma_start3A_68] : memref<40x128xi32, #tpu.memory_space<vmem>> -> memref<1x128xi32, #tpu.memory_space<vmem>>
        %dma_start3A_70 = tpu.memref_squeeze %dma_start3A_69 : memref<1x128xi32, #tpu.memory_space<vmem>> -> memref<128xi32, #tpu.memory_space<vmem>>
        %dma_start3A_71 = arith.constant 0 : i32
        %dma_start3A_72 = tpu.memref_slice %arg3[%add3A_44, %dma_start3A_71] : memref<2560x128xi32, #tpu.memory_space<hbm>> -> memref<1x128xi32, #tpu.memory_space<hbm>>
        %dma_start3A_73 = tpu.memref_squeeze %dma_start3A_72 : memref<1x128xi32, #tpu.memory_space<hbm>> -> memref<128xi32, #tpu.memory_space<hbm>>
        tpu.enqueue_dma source(%dma_start3A_73 : memref<128xi32, #tpu.memory_space<hbm>>) target(%dma_start3A_70 : memref<128xi32, #tpu.memory_space<vmem>>) target_semaphore(%run_scoped3A_61 : memref<!tpu.dma_semaphore, #tpu.memory_space<semaphore_mem>>)
        %dma_wait3A_74 = arith.constant 0 : i32
        %dma_wait3A_75 = tpu.memref_slice %arg6[%run_scoped3A, %dma_wait3A_74] : memref<40x128xi32, #tpu.memory_space<vmem>> -> memref<1x128xi32, #tpu.memory_space<vmem>>
        %dma_wait3A_76 = tpu.memref_squeeze %dma_wait3A_75 : memref<1x128xi32, #tpu.memory_space<vmem>> -> memref<128xi32, #tpu.memory_space<vmem>>
        %dma_wait3A_77 = arith.constant 0 : i32
        %dma_wait3A_78 = tpu.memref_slice %arg3[%add3A_44, %dma_wait3A_77] : memref<2560x128xi32, #tpu.memory_space<hbm>> -> memref<1x128xi32, #tpu.memory_space<hbm>>
        %dma_wait3A_79 = tpu.memref_squeeze %dma_wait3A_78 : memref<1x128xi32, #tpu.memory_space<hbm>> -> memref<128xi32, #tpu.memory_space<hbm>>
        %dma_wait3A_80 = arith.constant 0 : i32
        %dma_wait3A_81 = tpu.memref_slice %arg6[%run_scoped3A, %dma_wait3A_80] : memref<40x128xi32, #tpu.memory_space<vmem>> -> memref<1x128xi32, #tpu.memory_space<vmem>>
        %dma_wait3A_82 = tpu.memref_squeeze %dma_wait3A_81 : memref<1x128xi32, #tpu.memory_space<vmem>> -> memref<128xi32, #tpu.memory_space<vmem>>
        %dma_wait3A_83 = arith.constant 0 : i32
        %dma_wait3A_84 = tpu.memref_slice %arg3[%add3A_44, %dma_wait3A_83] : memref<2560x128xi32, #tpu.memory_space<hbm>> -> memref<1x128xi32, #tpu.memory_space<hbm>>
        %dma_wait3A_85 = tpu.memref_squeeze %dma_wait3A_84 : memref<1x128xi32, #tpu.memory_space<hbm>> -> memref<128xi32, #tpu.memory_space<hbm>>
        tpu.wait_dma2 semaphore(%run_scoped3A_61 : memref<!tpu.dma_semaphore, #tpu.memory_space<semaphore_mem>>) src(%dma_wait3A_85 : memref<128xi32, #tpu.memory_space<hbm>>) dst(%dma_wait3A_82 : memref<128xi32, #tpu.memory_space<vmem>>)
        tpu.yield
      }) : () -> ()
      %add3A_45 = arith.addi %mul3A_29, %scan3A_42 : i32
      %run_scoped3A_46 = arith.constant 0 : i32
      "tpu.region"() ({
        %run_scoped3A_61 = tpu.sem_alloc : memref<!tpu.dma_semaphore, #tpu.memory_space<semaphore_mem>>
        %dma_start3A_62 = arith.constant 0 : i32
        %dma_start3A_63 = tpu.memref_slice %arg7[%run_scoped3A_46, %dma_start3A_62] : memref<40x128xi32, #tpu.memory_space<vmem>> -> memref<1x128xi32, #tpu.memory_space<vmem>>
        %dma_start3A_64 = tpu.memref_squeeze %dma_start3A_63 : memref<1x128xi32, #tpu.memory_space<vmem>> -> memref<128xi32, #tpu.memory_space<vmem>>
        %dma_start3A_65 = arith.constant 0 : i32
        %dma_start3A_66 = tpu.memref_slice %arg4[%add3A_45, %dma_start3A_65] : memref<2560x128xi32, #tpu.memory_space<hbm>> -> memref<1x128xi32, #tpu.memory_space<hbm>>
        %dma_start3A_67 = tpu.memref_squeeze %dma_start3A_66 : memref<1x128xi32, #tpu.memory_space<hbm>> -> memref<128xi32, #tpu.memory_space<hbm>>
        %dma_start3A_68 = arith.constant 0 : i32
        %dma_start3A_69 = tpu.memref_slice %arg7[%run_scoped3A_46, %dma_start3A_68] : memref<40x128xi32, #tpu.memory_space<vmem>> -> memref<1x128xi32, #tpu.memory_space<vmem>>
        %dma_start3A_70 = tpu.memref_squeeze %dma_start3A_69 : memref<1x128xi32, #tpu.memory_space<vmem>> -> memref<128xi32, #tpu.memory_space<vmem>>
        %dma_start3A_71 = arith.constant 0 : i32
        %dma_start3A_72 = tpu.memref_slice %arg4[%add3A_45, %dma_start3A_71] : memref<2560x128xi32, #tpu.memory_space<hbm>> -> memref<1x128xi32, #tpu.memory_space<hbm>>
        %dma_start3A_73 = tpu.memref_squeeze %dma_start3A_72 : memref<1x128xi32, #tpu.memory_space<hbm>> -> memref<128xi32, #tpu.memory_space<hbm>>
        tpu.enqueue_dma source(%dma_start3A_73 : memref<128xi32, #tpu.memory_space<hbm>>) target(%dma_start3A_70 : memref<128xi32, #tpu.memory_space<vmem>>) target_semaphore(%run_scoped3A_61 : memref<!tpu.dma_semaphore, #tpu.memory_space<semaphore_mem>>)
        %dma_wait3A_74 = arith.constant 0 : i32
        %dma_wait3A_75 = tpu.memref_slice %arg7[%run_scoped3A_46, %dma_wait3A_74] : memref<40x128xi32, #tpu.memory_space<vmem>> -> memref<1x128xi32, #tpu.memory_space<vmem>>
        %dma_wait3A_76 = tpu.memref_squeeze %dma_wait3A_75 : memref<1x128xi32, #tpu.memory_space<vmem>> -> memref<128xi32, #tpu.memory_space<vmem>>
        %dma_wait3A_77 = arith.constant 0 : i32
        %dma_wait3A_78 = tpu.memref_slice %arg4[%add3A_45, %dma_wait3A_77] : memref<2560x128xi32, #tpu.memory_space<hbm>> -> memref<1x128xi32, #tpu.memory_space<hbm>>
        %dma_wait3A_79 = tpu.memref_squeeze %dma_wait3A_78 : memref<1x128xi32, #tpu.memory_space<hbm>> -> memref<128xi32, #tpu.memory_space<hbm>>
        %dma_wait3A_80 = arith.constant 0 : i32
        %dma_wait3A_81 = tpu.memref_slice %arg7[%run_scoped3A_46, %dma_wait3A_80] : memref<40x128xi32, #tpu.memory_space<vmem>> -> memref<1x128xi32, #tpu.memory_space<vmem>>
        %dma_wait3A_82 = tpu.memref_squeeze %dma_wait3A_81 : memref<1x128xi32, #tpu.memory_space<vmem>> -> memref<128xi32, #tpu.memory_space<vmem>>
        %dma_wait3A_83 = arith.constant 0 : i32
        %dma_wait3A_84 = tpu.memref_slice %arg4[%add3A_45, %dma_wait3A_83] : memref<2560x128xi32, #tpu.memory_space<hbm>> -> memref<1x128xi32, #tpu.memory_space<hbm>>
        %dma_wait3A_85 = tpu.memref_squeeze %dma_wait3A_84 : memref<1x128xi32, #tpu.memory_space<hbm>> -> memref<128xi32, #tpu.memory_space<hbm>>
        tpu.wait_dma2 semaphore(%run_scoped3A_61 : memref<!tpu.dma_semaphore, #tpu.memory_space<semaphore_mem>>) src(%dma_wait3A_85 : memref<128xi32, #tpu.memory_space<hbm>>) dst(%dma_wait3A_82 : memref<128xi32, #tpu.memory_space<vmem>>)
        tpu.yield
      }) : () -> ()
      %dma_start3A = arith.constant 0 : i32
      %dma_start3A_47 = arith.constant 0 : i32
      %dma_start3A_48 = tpu.memref_slice %arg6[%dma_start3A, %dma_start3A_47] : memref<40x128xi32, #tpu.memory_space<vmem>> -> memref<1x128xi32, #tpu.memory_space<vmem>>
      %dma_start3A_49 = tpu.memref_squeeze %dma_start3A_48 : memref<1x128xi32, #tpu.memory_space<vmem>> -> memref<128xi32, #tpu.memory_space<vmem>>
      %dma_start3A_50 = arith.constant 0 : i32
      %dma_start3A_51 = arith.constant 0 : i32
      %dma_start3A_52 = tpu.memref_slice %arg2[%dma_start3A_50, %dma_start3A_51] : memref<10240x128xf32, #tpu.memory_space<hbm>> -> memref<10240x128xf32, #tpu.memory_space<hbm>>
      tpu.enqueue_indirect_dma source(%dma_start3A_52 : memref<10240x128xf32, #tpu.memory_space<hbm>>) target(%arg8 : memref<128x128xf32, #tpu.memory_space<vmem>>) offsets(%dma_start3A_49 : memref<128xi32, #tpu.memory_space<vmem>>) semaphore(%arg11 : memref<!tpu.dma_semaphore, #tpu.memory_space<semaphore_mem>>)
      %dma_wait3A = arith.constant 0 : i32
      %dma_wait3A_53 = arith.constant 0 : i32
      %dma_wait3A_54 = tpu.memref_slice %arg6[%dma_wait3A, %dma_wait3A_53] : memref<40x128xi32, #tpu.memory_space<vmem>> -> memref<1x128xi32, #tpu.memory_space<vmem>>
      %dma_wait3A_55 = tpu.memref_squeeze %dma_wait3A_54 : memref<1x128xi32, #tpu.memory_space<vmem>> -> memref<128xi32, #tpu.memory_space<vmem>>
      %dma_wait3A_56 = arith.constant 0 : i32
      %dma_wait3A_57 = arith.constant 0 : i32
      %dma_wait3A_58 = tpu.memref_slice %arg2[%dma_wait3A_56, %dma_wait3A_57] : memref<10240x128xf32, #tpu.memory_space<hbm>> -> memref<10240x128xf32, #tpu.memory_space<hbm>>
      tpu.wait_indirect_dma semaphore(%arg11 : memref<!tpu.dma_semaphore, #tpu.memory_space<semaphore_mem>>) src(%dma_wait3A_58 : memref<10240x128xf32, #tpu.memory_space<hbm>>) dst(%arg8 : memref<128x128xf32, #tpu.memory_space<vmem>>)
      %run_scoped3A_59 = arith.constant 0 : i32
      "tpu.region"() ({
        %run_scoped3A_61 = tpu.sem_alloc : memref<!tpu.dma_semaphore, #tpu.memory_space<semaphore_mem>>
        %dma_start3A_62 = arith.constant 0 : i32
        %dma_start3A_63 = tpu.memref_slice %arg7[%run_scoped3A_59, %dma_start3A_62] : memref<40x128xi32, #tpu.memory_space<vmem>> -> memref<1x128xi32, #tpu.memory_space<vmem>>
        %dma_start3A_64 = tpu.memref_squeeze %dma_start3A_63 : memref<1x128xi32, #tpu.memory_space<vmem>> -> memref<128xi32, #tpu.memory_space<vmem>>
        %dma_start3A_65 = arith.constant 0 : i32
        %dma_start3A_66 = arith.constant 0 : i32
        %dma_start3A_67 = tpu.memref_slice %arg10[%dma_start3A_65, %dma_start3A_66] : memref<10240x128xf32, #tpu.memory_space<vmem_shared>> -> memref<10240x128xf32, #tpu.memory_space<vmem_shared>>
        tpu.enqueue_indirect_dma source(%arg8 : memref<128x128xf32, #tpu.memory_space<vmem>>) target(%dma_start3A_67 : memref<10240x128xf32, #tpu.memory_space<vmem_shared>>) offsets(%dma_start3A_64 : memref<128xi32, #tpu.memory_space<vmem>>) semaphore(%run_scoped3A_61 : memref<!tpu.dma_semaphore, #tpu.memory_space<semaphore_mem>>) {add = true}
        %dma_wait3A_68 = arith.constant 0 : i32
        %dma_wait3A_69 = tpu.memref_slice %arg7[%run_scoped3A_59, %dma_wait3A_68] : memref<40x128xi32, #tpu.memory_space<vmem>> -> memref<1x128xi32, #tpu.memory_space<vmem>>
        %dma_wait3A_70 = tpu.memref_squeeze %dma_wait3A_69 : memref<1x128xi32, #tpu.memory_space<vmem>> -> memref<128xi32, #tpu.memory_space<vmem>>
        %dma_wait3A_71 = arith.constant 0 : i32
        %dma_wait3A_72 = arith.constant 0 : i32
        %dma_wait3A_73 = tpu.memref_slice %arg10[%dma_wait3A_71, %dma_wait3A_72] : memref<10240x128xf32, #tpu.memory_space<vmem_shared>> -> memref<10240x128xf32, #tpu.memory_space<vmem_shared>>
        tpu.wait_indirect_dma semaphore(%run_scoped3A_61 : memref<!tpu.dma_semaphore, #tpu.memory_space<semaphore_mem>>) src(%arg8 : memref<128x128xf32, #tpu.memory_space<vmem>>) dst(%dma_wait3A_73 : memref<10240x128xf32, #tpu.memory_space<vmem_shared>>)
        tpu.yield
      }) : () -> ()
      %scan3A_60 = arith.constant 0 : i32
      scf.yield %scan3A_60 : i32
    }
    %scan3A_36 = arith.constant 80 : i32
    %barrier3A_37 = arith.constant 0 : index
    tpu.barrier barrier_id(%barrier3A_37)
    %mul3A_38 = arith.constant 640 : i32
    %mul3A_39 = arith.muli %arg1, %mul3A_38 : i32
    %mul3A_40 = arith.constant 640 : i32
    %mul3A_41 = arith.muli %arg1, %mul3A_40 : i32
    "tpu.region"() ({
      %run_scoped3A = tpu.sem_alloc : memref<!tpu.dma_semaphore, #tpu.memory_space<semaphore_mem>>
      %dma_start3A = arith.constant 0 : i32
      %dma_start3A_42 = tpu.memref_slice %arg5[%arg0, %mul3A_41, %dma_start3A] : memref<2x10240x128xf32, #tpu.memory_space<hbm>> -> memref<1x640x128xf32, #tpu.memory_space<hbm>>
      %dma_start3A_43 = tpu.memref_squeeze %dma_start3A_42 : memref<1x640x128xf32, #tpu.memory_space<hbm>> -> memref<640x128xf32, #tpu.memory_space<hbm>>
      %dma_start3A_44 = arith.constant 0 : i32
      %dma_start3A_45 = tpu.memref_slice %arg10[%mul3A_39, %dma_start3A_44] : memref<10240x128xf32, #tpu.memory_space<vmem_shared>> -> memref<640x128xf32, #tpu.memory_space<vmem_shared>>
      tpu.enqueue_dma source(%dma_start3A_45 : memref<640x128xf32, #tpu.memory_space<vmem_shared>>) target(%dma_start3A_43 : memref<640x128xf32, #tpu.memory_space<hbm>>) target_semaphore(%run_scoped3A : memref<!tpu.dma_semaphore, #tpu.memory_space<semaphore_mem>>)
      %dma_wait3A = arith.constant 0 : i32
      %dma_wait3A_46 = tpu.memref_slice %arg5[%arg0, %mul3A_41, %dma_wait3A] : memref<2x10240x128xf32, #tpu.memory_space<hbm>> -> memref<1x640x128xf32, #tpu.memory_space<hbm>>
      %dma_wait3A_47 = tpu.memref_squeeze %dma_wait3A_46 : memref<1x640x128xf32, #tpu.memory_space<hbm>> -> memref<640x128xf32, #tpu.memory_space<hbm>>
      %dma_wait3A_48 = arith.constant 0 : i32
      %dma_wait3A_49 = tpu.memref_slice %arg10[%mul3A_39, %dma_wait3A_48] : memref<10240x128xf32, #tpu.memory_space<vmem_shared>> -> memref<640x128xf32, #tpu.memory_space<vmem_shared>>
      tpu.wait_dma2 semaphore(%run_scoped3A : memref<!tpu.dma_semaphore, #tpu.memory_space<semaphore_mem>>) src(%dma_wait3A_49 : memref<640x128xf32, #tpu.memory_space<vmem_shared>>) dst(%dma_wait3A_47 : memref<640x128xf32, #tpu.memory_space<hbm>>)
      tpu.yield
    }) : () -> ()
    return
  }
}

#map = affine_map<(d0, d1) -> (0, 0)>
#map1 = affine_map<(d0, d1) -> (0, 0, 0)>
module attributes {stable_mosaic.version = 14 : i64} {
  func.func @_edge_body(%arg0: i32, %arg1: i32, %arg2: memref<10240x128xf32, #tpu.memory_space<hbm>>, %arg3: memref<2560x128xi32, #tpu.memory_space<hbm>>, %arg4: memref<2560x128xi32, #tpu.memory_space<hbm>>, %arg5: memref<2x10240x128xf32, #tpu.memory_space<hbm>>, %arg6: memref<40x128xi32, #tpu.memory_space<vmem>>, %arg7: memref<40x128xi32, #tpu.memory_space<vmem>>, %arg8: memref<128x128xf32, #tpu.memory_space<vmem>>, %arg9: memref<128x128xf32, #tpu.memory_space<vmem>>, %arg10: memref<10240x128xf32, #tpu.memory_space<vmem_shared>>, %arg11: memref<!tpu.dma_semaphore, #tpu.memory_space<semaphore_mem>>, %arg12: memref<!tpu.dma_semaphore, #tpu.memory_space<semaphore_mem>>) attributes {dimension_semantics = [#tpu.dimension_semantics<core_parallel>, #tpu.dimension_semantics<subcore_parallel>], iteration_bounds = array<i64: 2, 16>, scalar_prefetch = 0 : i64, scratch_operands = 7 : i64, tpu.core_type = #tpu.core_type<sc_vector_subcore>, window_params = [{transform_indices = #map}, {transform_indices = #map}, {transform_indices = #map}, {transform_indices = #map1}]} {
    %broadcast_in_dim3A = arith.constant 0.000000e+00 : f32
    %broadcast_in_dim3A_0 = vector.broadcast %broadcast_in_dim3A : f32 to vector<16xf32>
    %scan3A = arith.constant 0 : i32
    %scan3A_1 = arith.constant 0 : i32
    %scan3A_2 = arith.constant 128 : i32
    %scan3A_3 = arith.addi %scan3A_1, %scan3A_2 : i32
    %scan3A_4 = arith.constant 1 : i32
    %scan3A_5 = scf.for %scan3A_42 = %scan3A_1 to %scan3A_3 step %scan3A_4 iter_args(%scan3A_43 = %scan3A) -> (i32)  : i32 {
      %swap3A = arith.index_cast %scan3A_42 : i32 to index
      %swap3A_44 = arith.constant 0 : index
      %swap3A_45 = tpu.vector_load %arg8[%swap3A, %swap3A_44] {strides = array<i32>} : memref<128x128xf32, #tpu.memory_space<vmem>>, vector<1x16xf32>,
      %swap3A_46 = vector.shape_cast %swap3A_45 : vector<1x16xf32> to vector<16xf32>
      %swap3A_47 = vector.shape_cast %broadcast_in_dim3A_0 : vector<16xf32> to vector<1x16xf32>
      tpu.vector_store %arg8[%swap3A, %swap3A_44], %swap3A_47 {strides = array<i32>} : memref<128x128xf32, #tpu.memory_space<vmem>>, vector<1x16xf32>,
      %swap3A_48 = arith.index_cast %scan3A_42 : i32 to index
      %swap3A_49 = arith.constant 16 : index
      %swap3A_50 = tpu.vector_load %arg8[%swap3A_48, %swap3A_49] {strides = array<i32>} : memref<128x128xf32, #tpu.memory_space<vmem>>, vector<1x16xf32>,
      %swap3A_51 = vector.shape_cast %swap3A_50 : vector<1x16xf32> to vector<16xf32>
      %swap3A_52 = vector.shape_cast %broadcast_in_dim3A_0 : vector<16xf32> to vector<1x16xf32>
      tpu.vector_store %arg8[%swap3A_48, %swap3A_49], %swap3A_52 {strides = array<i32>} : memref<128x128xf32, #tpu.memory_space<vmem>>, vector<1x16xf32>,
      %swap3A_53 = arith.index_cast %scan3A_42 : i32 to index
      %swap3A_54 = arith.constant 32 : index
      %swap3A_55 = tpu.vector_load %arg8[%swap3A_53, %swap3A_54] {strides = array<i32>} : memref<128x128xf32, #tpu.memory_space<vmem>>, vector<1x16xf32>,
      %swap3A_56 = vector.shape_cast %swap3A_55 : vector<1x16xf32> to vector<16xf32>
      %swap3A_57 = vector.shape_cast %broadcast_in_dim3A_0 : vector<16xf32> to vector<1x16xf32>
      tpu.vector_store %arg8[%swap3A_53, %swap3A_54], %swap3A_57 {strides = array<i32>} : memref<128x128xf32, #tpu.memory_space<vmem>>, vector<1x16xf32>,
      %swap3A_58 = arith.index_cast %scan3A_42 : i32 to index
      %swap3A_59 = arith.constant 48 : index
      %swap3A_60 = tpu.vector_load %arg8[%swap3A_58, %swap3A_59] {strides = array<i32>} : memref<128x128xf32, #tpu.memory_space<vmem>>, vector<1x16xf32>,
      %swap3A_61 = vector.shape_cast %swap3A_60 : vector<1x16xf32> to vector<16xf32>
      %swap3A_62 = vector.shape_cast %broadcast_in_dim3A_0 : vector<16xf32> to vector<1x16xf32>
      tpu.vector_store %arg8[%swap3A_58, %swap3A_59], %swap3A_62 {strides = array<i32>} : memref<128x128xf32, #tpu.memory_space<vmem>>, vector<1x16xf32>,
      %swap3A_63 = arith.index_cast %scan3A_42 : i32 to index
      %swap3A_64 = arith.constant 64 : index
      %swap3A_65 = tpu.vector_load %arg8[%swap3A_63, %swap3A_64] {strides = array<i32>} : memref<128x128xf32, #tpu.memory_space<vmem>>, vector<1x16xf32>,
      %swap3A_66 = vector.shape_cast %swap3A_65 : vector<1x16xf32> to vector<16xf32>
      %swap3A_67 = vector.shape_cast %broadcast_in_dim3A_0 : vector<16xf32> to vector<1x16xf32>
      tpu.vector_store %arg8[%swap3A_63, %swap3A_64], %swap3A_67 {strides = array<i32>} : memref<128x128xf32, #tpu.memory_space<vmem>>, vector<1x16xf32>,
      %swap3A_68 = arith.index_cast %scan3A_42 : i32 to index
      %swap3A_69 = arith.constant 80 : index
      %swap3A_70 = tpu.vector_load %arg8[%swap3A_68, %swap3A_69] {strides = array<i32>} : memref<128x128xf32, #tpu.memory_space<vmem>>, vector<1x16xf32>,
      %swap3A_71 = vector.shape_cast %swap3A_70 : vector<1x16xf32> to vector<16xf32>
      %swap3A_72 = vector.shape_cast %broadcast_in_dim3A_0 : vector<16xf32> to vector<1x16xf32>
      tpu.vector_store %arg8[%swap3A_68, %swap3A_69], %swap3A_72 {strides = array<i32>} : memref<128x128xf32, #tpu.memory_space<vmem>>, vector<1x16xf32>,
      %swap3A_73 = arith.index_cast %scan3A_42 : i32 to index
      %swap3A_74 = arith.constant 96 : index
      %swap3A_75 = tpu.vector_load %arg8[%swap3A_73, %swap3A_74] {strides = array<i32>} : memref<128x128xf32, #tpu.memory_space<vmem>>, vector<1x16xf32>,
      %swap3A_76 = vector.shape_cast %swap3A_75 : vector<1x16xf32> to vector<16xf32>
      %swap3A_77 = vector.shape_cast %broadcast_in_dim3A_0 : vector<16xf32> to vector<1x16xf32>
      tpu.vector_store %arg8[%swap3A_73, %swap3A_74], %swap3A_77 {strides = array<i32>} : memref<128x128xf32, #tpu.memory_space<vmem>>, vector<1x16xf32>,
      %swap3A_78 = arith.index_cast %scan3A_42 : i32 to index
      %swap3A_79 = arith.constant 112 : index
      %swap3A_80 = tpu.vector_load %arg8[%swap3A_78, %swap3A_79] {strides = array<i32>} : memref<128x128xf32, #tpu.memory_space<vmem>>, vector<1x16xf32>,
      %swap3A_81 = vector.shape_cast %swap3A_80 : vector<1x16xf32> to vector<16xf32>
      %swap3A_82 = vector.shape_cast %broadcast_in_dim3A_0 : vector<16xf32> to vector<1x16xf32>
      tpu.vector_store %arg8[%swap3A_78, %swap3A_79], %swap3A_82 {strides = array<i32>} : memref<128x128xf32, #tpu.memory_space<vmem>>, vector<1x16xf32>,
      %scan3A_83 = arith.constant 0 : i32
      scf.yield %scan3A_83 : i32
    }
    %scan3A_6 = arith.constant 128 : i32
    %mul3A = arith.constant 640 : i32
    %mul3A_7 = arith.muli %arg1, %mul3A : i32
    %add3A = arith.constant 0 : i32
    %add3A_8 = arith.addi %mul3A_7, %add3A : i32
    "tpu.region"() ({
      %run_scoped3A = tpu.sem_alloc : memref<!tpu.dma_semaphore, #tpu.memory_space<semaphore_mem>>
      %dma_start3A = arith.constant 0 : i32
      %dma_start3A_42 = tpu.memref_slice %arg10[%add3A_8, %dma_start3A] : memref<10240x128xf32, #tpu.memory_space<vmem_shared>> -> memref<128x128xf32, #tpu.memory_space<vmem_shared>>
      %dma_start3A_43 = arith.constant 0 : i32
      %dma_start3A_44 = tpu.memref_slice %arg10[%add3A_8, %dma_start3A_43] : memref<10240x128xf32, #tpu.memory_space<vmem_shared>> -> memref<128x128xf32, #tpu.memory_space<vmem_shared>>
      tpu.enqueue_dma source(%arg8 : memref<128x128xf32, #tpu.memory_space<vmem>>) target(%dma_start3A_44 : memref<128x128xf32, #tpu.memory_space<vmem_shared>>) target_semaphore(%run_scoped3A : memref<!tpu.dma_semaphore, #tpu.memory_space<semaphore_mem>>)
      %dma_wait3A = arith.constant 0 : i32
      %dma_wait3A_45 = tpu.memref_slice %arg10[%add3A_8, %dma_wait3A] : memref<10240x128xf32, #tpu.memory_space<vmem_shared>> -> memref<128x128xf32, #tpu.memory_space<vmem_shared>>
      %dma_wait3A_46 = arith.constant 0 : i32
      %dma_wait3A_47 = tpu.memref_slice %arg10[%add3A_8, %dma_wait3A_46] : memref<10240x128xf32, #tpu.memory_space<vmem_shared>> -> memref<128x128xf32, #tpu.memory_space<vmem_shared>>
      tpu.wait_dma2 semaphore(%run_scoped3A : memref<!tpu.dma_semaphore, #tpu.memory_space<semaphore_mem>>) src(%arg8 : memref<128x128xf32, #tpu.memory_space<vmem>>) dst(%dma_wait3A_47 : memref<128x128xf32, #tpu.memory_space<vmem_shared>>)
      tpu.yield
    }) : () -> ()
    %mul3A_9 = arith.constant 640 : i32
    %mul3A_10 = arith.muli %arg1, %mul3A_9 : i32
    %add3A_11 = arith.constant 128 : i32
    %add3A_12 = arith.addi %mul3A_10, %add3A_11 : i32
    "tpu.region"() ({
      %run_scoped3A = tpu.sem_alloc : memref<!tpu.dma_semaphore, #tpu.memory_space<semaphore_mem>>
      %dma_start3A = arith.constant 0 : i32
      %dma_start3A_42 = tpu.memref_slice %arg10[%add3A_12, %dma_start3A] : memref<10240x128xf32, #tpu.memory_space<vmem_shared>> -> memref<128x128xf32, #tpu.memory_space<vmem_shared>>
      %dma_start3A_43 = arith.constant 0 : i32
      %dma_start3A_44 = tpu.memref_slice %arg10[%add3A_12, %dma_start3A_43] : memref<10240x128xf32, #tpu.memory_space<vmem_shared>> -> memref<128x128xf32, #tpu.memory_space<vmem_shared>>
      tpu.enqueue_dma source(%arg8 : memref<128x128xf32, #tpu.memory_space<vmem>>) target(%dma_start3A_44 : memref<128x128xf32, #tpu.memory_space<vmem_shared>>) target_semaphore(%run_scoped3A : memref<!tpu.dma_semaphore, #tpu.memory_space<semaphore_mem>>)
      %dma_wait3A = arith.constant 0 : i32
      %dma_wait3A_45 = tpu.memref_slice %arg10[%add3A_12, %dma_wait3A] : memref<10240x128xf32, #tpu.memory_space<vmem_shared>> -> memref<128x128xf32, #tpu.memory_space<vmem_shared>>
      %dma_wait3A_46 = arith.constant 0 : i32
      %dma_wait3A_47 = tpu.memref_slice %arg10[%add3A_12, %dma_wait3A_46] : memref<10240x128xf32, #tpu.memory_space<vmem_shared>> -> memref<128x128xf32, #tpu.memory_space<vmem_shared>>
      tpu.wait_dma2 semaphore(%run_scoped3A : memref<!tpu.dma_semaphore, #tpu.memory_space<semaphore_mem>>) src(%arg8 : memref<128x128xf32, #tpu.memory_space<vmem>>) dst(%dma_wait3A_47 : memref<128x128xf32, #tpu.memory_space<vmem_shared>>)
      tpu.yield
    }) : () -> ()
    %mul3A_13 = arith.constant 640 : i32
    %mul3A_14 = arith.muli %arg1, %mul3A_13 : i32
    %add3A_15 = arith.constant 256 : i32
    %add3A_16 = arith.addi %mul3A_14, %add3A_15 : i32
    "tpu.region"() ({
      %run_scoped3A = tpu.sem_alloc : memref<!tpu.dma_semaphore, #tpu.memory_space<semaphore_mem>>
      %dma_start3A = arith.constant 0 : i32
      %dma_start3A_42 = tpu.memref_slice %arg10[%add3A_16, %dma_start3A] : memref<10240x128xf32, #tpu.memory_space<vmem_shared>> -> memref<128x128xf32, #tpu.memory_space<vmem_shared>>
      %dma_start3A_43 = arith.constant 0 : i32
      %dma_start3A_44 = tpu.memref_slice %arg10[%add3A_16, %dma_start3A_43] : memref<10240x128xf32, #tpu.memory_space<vmem_shared>> -> memref<128x128xf32, #tpu.memory_space<vmem_shared>>
      tpu.enqueue_dma source(%arg8 : memref<128x128xf32, #tpu.memory_space<vmem>>) target(%dma_start3A_44 : memref<128x128xf32, #tpu.memory_space<vmem_shared>>) target_semaphore(%run_scoped3A : memref<!tpu.dma_semaphore, #tpu.memory_space<semaphore_mem>>)
      %dma_wait3A = arith.constant 0 : i32
      %dma_wait3A_45 = tpu.memref_slice %arg10[%add3A_16, %dma_wait3A] : memref<10240x128xf32, #tpu.memory_space<vmem_shared>> -> memref<128x128xf32, #tpu.memory_space<vmem_shared>>
      %dma_wait3A_46 = arith.constant 0 : i32
      %dma_wait3A_47 = tpu.memref_slice %arg10[%add3A_16, %dma_wait3A_46] : memref<10240x128xf32, #tpu.memory_space<vmem_shared>> -> memref<128x128xf32, #tpu.memory_space<vmem_shared>>
      tpu.wait_dma2 semaphore(%run_scoped3A : memref<!tpu.dma_semaphore, #tpu.memory_space<semaphore_mem>>) src(%arg8 : memref<128x128xf32, #tpu.memory_space<vmem>>) dst(%dma_wait3A_47 : memref<128x128xf32, #tpu.memory_space<vmem_shared>>)
      tpu.yield
    }) : () -> ()
    %mul3A_17 = arith.constant 640 : i32
    %mul3A_18 = arith.muli %arg1, %mul3A_17 : i32
    %add3A_19 = arith.constant 384 : i32
    %add3A_20 = arith.addi %mul3A_18, %add3A_19 : i32
    "tpu.region"() ({
      %run_scoped3A = tpu.sem_alloc : memref<!tpu.dma_semaphore, #tpu.memory_space<semaphore_mem>>
      %dma_start3A = arith.constant 0 : i32
      %dma_start3A_42 = tpu.memref_slice %arg10[%add3A_20, %dma_start3A] : memref<10240x128xf32, #tpu.memory_space<vmem_shared>> -> memref<128x128xf32, #tpu.memory_space<vmem_shared>>
      %dma_start3A_43 = arith.constant 0 : i32
      %dma_start3A_44 = tpu.memref_slice %arg10[%add3A_20, %dma_start3A_43] : memref<10240x128xf32, #tpu.memory_space<vmem_shared>> -> memref<128x128xf32, #tpu.memory_space<vmem_shared>>
      tpu.enqueue_dma source(%arg8 : memref<128x128xf32, #tpu.memory_space<vmem>>) target(%dma_start3A_44 : memref<128x128xf32, #tpu.memory_space<vmem_shared>>) target_semaphore(%run_scoped3A : memref<!tpu.dma_semaphore, #tpu.memory_space<semaphore_mem>>)
      %dma_wait3A = arith.constant 0 : i32
      %dma_wait3A_45 = tpu.memref_slice %arg10[%add3A_20, %dma_wait3A] : memref<10240x128xf32, #tpu.memory_space<vmem_shared>> -> memref<128x128xf32, #tpu.memory_space<vmem_shared>>
      %dma_wait3A_46 = arith.constant 0 : i32
      %dma_wait3A_47 = tpu.memref_slice %arg10[%add3A_20, %dma_wait3A_46] : memref<10240x128xf32, #tpu.memory_space<vmem_shared>> -> memref<128x128xf32, #tpu.memory_space<vmem_shared>>
      tpu.wait_dma2 semaphore(%run_scoped3A : memref<!tpu.dma_semaphore, #tpu.memory_space<semaphore_mem>>) src(%arg8 : memref<128x128xf32, #tpu.memory_space<vmem>>) dst(%dma_wait3A_47 : memref<128x128xf32, #tpu.memory_space<vmem_shared>>)
      tpu.yield
    }) : () -> ()
    %mul3A_21 = arith.constant 640 : i32
    %mul3A_22 = arith.muli %arg1, %mul3A_21 : i32
    %add3A_23 = arith.constant 512 : i32
    %add3A_24 = arith.addi %mul3A_22, %add3A_23 : i32
    "tpu.region"() ({
      %run_scoped3A = tpu.sem_alloc : memref<!tpu.dma_semaphore, #tpu.memory_space<semaphore_mem>>
      %dma_start3A = arith.constant 0 : i32
      %dma_start3A_42 = tpu.memref_slice %arg10[%add3A_24, %dma_start3A] : memref<10240x128xf32, #tpu.memory_space<vmem_shared>> -> memref<128x128xf32, #tpu.memory_space<vmem_shared>>
      %dma_start3A_43 = arith.constant 0 : i32
      %dma_start3A_44 = tpu.memref_slice %arg10[%add3A_24, %dma_start3A_43] : memref<10240x128xf32, #tpu.memory_space<vmem_shared>> -> memref<128x128xf32, #tpu.memory_space<vmem_shared>>
      tpu.enqueue_dma source(%arg8 : memref<128x128xf32, #tpu.memory_space<vmem>>) target(%dma_start3A_44 : memref<128x128xf32, #tpu.memory_space<vmem_shared>>) target_semaphore(%run_scoped3A : memref<!tpu.dma_semaphore, #tpu.memory_space<semaphore_mem>>)
      %dma_wait3A = arith.constant 0 : i32
      %dma_wait3A_45 = tpu.memref_slice %arg10[%add3A_24, %dma_wait3A] : memref<10240x128xf32, #tpu.memory_space<vmem_shared>> -> memref<128x128xf32, #tpu.memory_space<vmem_shared>>
      %dma_wait3A_46 = arith.constant 0 : i32
      %dma_wait3A_47 = tpu.memref_slice %arg10[%add3A_24, %dma_wait3A_46] : memref<10240x128xf32, #tpu.memory_space<vmem_shared>> -> memref<128x128xf32, #tpu.memory_space<vmem_shared>>
      tpu.wait_dma2 semaphore(%run_scoped3A : memref<!tpu.dma_semaphore, #tpu.memory_space<semaphore_mem>>) src(%arg8 : memref<128x128xf32, #tpu.memory_space<vmem>>) dst(%dma_wait3A_47 : memref<128x128xf32, #tpu.memory_space<vmem_shared>>)
      tpu.yield
    }) : () -> ()
    %barrier3A = arith.constant 0 : index
    tpu.barrier barrier_id(%barrier3A)
    %mul3A_25 = arith.constant 2 : i32
    %mul3A_26 = arith.muli %arg1, %mul3A_25 : i32
    %add3A_27 = arith.addi %mul3A_26, %arg0 : i32
    %mul3A_28 = arith.constant 80 : i32
    %mul3A_29 = arith.muli %add3A_27, %mul3A_28 : i32
    %scan3A_30 = arith.constant 0 : i32
    %scan3A_31 = arith.constant 0 : i32
    %scan3A_32 = arith.constant 80 : i32
    %scan3A_33 = arith.addi %scan3A_31, %scan3A_32 : i32
    %scan3A_34 = arith.constant 1 : i32
    %scan3A_35 = scf.for %scan3A_42 = %scan3A_31 to %scan3A_33 step %scan3A_34 iter_args(%scan3A_43 = %scan3A_30) -> (i32)  : i32 {
      %add3A_44 = arith.addi %mul3A_29, %scan3A_42 : i32
      %run_scoped3A = arith.constant 0 : i32
      "tpu.region"() ({
        %run_scoped3A_61 = tpu.sem_alloc : memref<!tpu.dma_semaphore, #tpu.memory_space<semaphore_mem>>
        %dma_start3A_62 = arith.constant 0 : i32
        %dma_start3A_63 = tpu.memref_slice %arg6[%run_scoped3A, %dma_start3A_62] : memref<40x128xi32, #tpu.memory_space<vmem>> -> memref<1x128xi32, #tpu.memory_space<vmem>>
        %dma_start3A_64 = tpu.memref_squeeze %dma_start3A_63 : memref<1x128xi32, #tpu.memory_space<vmem>> -> memref<128xi32, #tpu.memory_space<vmem>>
        %dma_start3A_65 = arith.constant 0 : i32
        %dma_start3A_66 = tpu.memref_slice %arg3[%add3A_44, %dma_start3A_65] : memref<2560x128xi32, #tpu.memory_space<hbm>> -> memref<1x128xi32, #tpu.memory_space<hbm>>
        %dma_start3A_67 = tpu.memref_squeeze %dma_start3A_66 : memref<1x128xi32, #tpu.memory_space<hbm>> -> memref<128xi32, #tpu.memory_space<hbm>>
        %dma_start3A_68 = arith.constant 0 : i32
        %dma_start3A_69 = tpu.memref_slice %arg6[%run_scoped3A, %dma_start3A_68] : memref<40x128xi32, #tpu.memory_space<vmem>> -> memref<1x128xi32, #tpu.memory_space<vmem>>
        %dma_start3A_70 = tpu.memref_squeeze %dma_start3A_69 : memref<1x128xi32, #tpu.memory_space<vmem>> -> memref<128xi32, #tpu.memory_space<vmem>>
        %dma_start3A_71 = arith.constant 0 : i32
        %dma_start3A_72 = tpu.memref_slice %arg3[%add3A_44, %dma_start3A_71] : memref<2560x128xi32, #tpu.memory_space<hbm>> -> memref<1x128xi32, #tpu.memory_space<hbm>>
        %dma_start3A_73 = tpu.memref_squeeze %dma_start3A_72 : memref<1x128xi32, #tpu.memory_space<hbm>> -> memref<128xi32, #tpu.memory_space<hbm>>
        tpu.enqueue_dma source(%dma_start3A_73 : memref<128xi32, #tpu.memory_space<hbm>>) target(%dma_start3A_70 : memref<128xi32, #tpu.memory_space<vmem>>) target_semaphore(%run_scoped3A_61 : memref<!tpu.dma_semaphore, #tpu.memory_space<semaphore_mem>>)
        %dma_wait3A_74 = arith.constant 0 : i32
        %dma_wait3A_75 = tpu.memref_slice %arg6[%run_scoped3A, %dma_wait3A_74] : memref<40x128xi32, #tpu.memory_space<vmem>> -> memref<1x128xi32, #tpu.memory_space<vmem>>
        %dma_wait3A_76 = tpu.memref_squeeze %dma_wait3A_75 : memref<1x128xi32, #tpu.memory_space<vmem>> -> memref<128xi32, #tpu.memory_space<vmem>>
        %dma_wait3A_77 = arith.constant 0 : i32
        %dma_wait3A_78 = tpu.memref_slice %arg3[%add3A_44, %dma_wait3A_77] : memref<2560x128xi32, #tpu.memory_space<hbm>> -> memref<1x128xi32, #tpu.memory_space<hbm>>
        %dma_wait3A_79 = tpu.memref_squeeze %dma_wait3A_78 : memref<1x128xi32, #tpu.memory_space<hbm>> -> memref<128xi32, #tpu.memory_space<hbm>>
        %dma_wait3A_80 = arith.constant 0 : i32
        %dma_wait3A_81 = tpu.memref_slice %arg6[%run_scoped3A, %dma_wait3A_80] : memref<40x128xi32, #tpu.memory_space<vmem>> -> memref<1x128xi32, #tpu.memory_space<vmem>>
        %dma_wait3A_82 = tpu.memref_squeeze %dma_wait3A_81 : memref<1x128xi32, #tpu.memory_space<vmem>> -> memref<128xi32, #tpu.memory_space<vmem>>
        %dma_wait3A_83 = arith.constant 0 : i32
        %dma_wait3A_84 = tpu.memref_slice %arg3[%add3A_44, %dma_wait3A_83] : memref<2560x128xi32, #tpu.memory_space<hbm>> -> memref<1x128xi32, #tpu.memory_space<hbm>>
        %dma_wait3A_85 = tpu.memref_squeeze %dma_wait3A_84 : memref<1x128xi32, #tpu.memory_space<hbm>> -> memref<128xi32, #tpu.memory_space<hbm>>
        tpu.wait_dma2 semaphore(%run_scoped3A_61 : memref<!tpu.dma_semaphore, #tpu.memory_space<semaphore_mem>>) src(%dma_wait3A_85 : memref<128xi32, #tpu.memory_space<hbm>>) dst(%dma_wait3A_82 : memref<128xi32, #tpu.memory_space<vmem>>)
        tpu.yield
      }) : () -> ()
      %add3A_45 = arith.addi %mul3A_29, %scan3A_42 : i32
      %run_scoped3A_46 = arith.constant 0 : i32
      "tpu.region"() ({
        %run_scoped3A_61 = tpu.sem_alloc : memref<!tpu.dma_semaphore, #tpu.memory_space<semaphore_mem>>
        %dma_start3A_62 = arith.constant 0 : i32
        %dma_start3A_63 = tpu.memref_slice %arg7[%run_scoped3A_46, %dma_start3A_62] : memref<40x128xi32, #tpu.memory_space<vmem>> -> memref<1x128xi32, #tpu.memory_space<vmem>>
        %dma_start3A_64 = tpu.memref_squeeze %dma_start3A_63 : memref<1x128xi32, #tpu.memory_space<vmem>> -> memref<128xi32, #tpu.memory_space<vmem>>
        %dma_start3A_65 = arith.constant 0 : i32
        %dma_start3A_66 = tpu.memref_slice %arg4[%add3A_45, %dma_start3A_65] : memref<2560x128xi32, #tpu.memory_space<hbm>> -> memref<1x128xi32, #tpu.memory_space<hbm>>
        %dma_start3A_67 = tpu.memref_squeeze %dma_start3A_66 : memref<1x128xi32, #tpu.memory_space<hbm>> -> memref<128xi32, #tpu.memory_space<hbm>>
        %dma_start3A_68 = arith.constant 0 : i32
        %dma_start3A_69 = tpu.memref_slice %arg7[%run_scoped3A_46, %dma_start3A_68] : memref<40x128xi32, #tpu.memory_space<vmem>> -> memref<1x128xi32, #tpu.memory_space<vmem>>
        %dma_start3A_70 = tpu.memref_squeeze %dma_start3A_69 : memref<1x128xi32, #tpu.memory_space<vmem>> -> memref<128xi32, #tpu.memory_space<vmem>>
        %dma_start3A_71 = arith.constant 0 : i32
        %dma_start3A_72 = tpu.memref_slice %arg4[%add3A_45, %dma_start3A_71] : memref<2560x128xi32, #tpu.memory_space<hbm>> -> memref<1x128xi32, #tpu.memory_space<hbm>>
        %dma_start3A_73 = tpu.memref_squeeze %dma_start3A_72 : memref<1x128xi32, #tpu.memory_space<hbm>> -> memref<128xi32, #tpu.memory_space<hbm>>
        tpu.enqueue_dma source(%dma_start3A_73 : memref<128xi32, #tpu.memory_space<hbm>>) target(%dma_start3A_70 : memref<128xi32, #tpu.memory_space<vmem>>) target_semaphore(%run_scoped3A_61 : memref<!tpu.dma_semaphore, #tpu.memory_space<semaphore_mem>>)
        %dma_wait3A_74 = arith.constant 0 : i32
        %dma_wait3A_75 = tpu.memref_slice %arg7[%run_scoped3A_46, %dma_wait3A_74] : memref<40x128xi32, #tpu.memory_space<vmem>> -> memref<1x128xi32, #tpu.memory_space<vmem>>
        %dma_wait3A_76 = tpu.memref_squeeze %dma_wait3A_75 : memref<1x128xi32, #tpu.memory_space<vmem>> -> memref<128xi32, #tpu.memory_space<vmem>>
        %dma_wait3A_77 = arith.constant 0 : i32
        %dma_wait3A_78 = tpu.memref_slice %arg4[%add3A_45, %dma_wait3A_77] : memref<2560x128xi32, #tpu.memory_space<hbm>> -> memref<1x128xi32, #tpu.memory_space<hbm>>
        %dma_wait3A_79 = tpu.memref_squeeze %dma_wait3A_78 : memref<1x128xi32, #tpu.memory_space<hbm>> -> memref<128xi32, #tpu.memory_space<hbm>>
        %dma_wait3A_80 = arith.constant 0 : i32
        %dma_wait3A_81 = tpu.memref_slice %arg7[%run_scoped3A_46, %dma_wait3A_80] : memref<40x128xi32, #tpu.memory_space<vmem>> -> memref<1x128xi32, #tpu.memory_space<vmem>>
        %dma_wait3A_82 = tpu.memref_squeeze %dma_wait3A_81 : memref<1x128xi32, #tpu.memory_space<vmem>> -> memref<128xi32, #tpu.memory_space<vmem>>
        %dma_wait3A_83 = arith.constant 0 : i32
        %dma_wait3A_84 = tpu.memref_slice %arg4[%add3A_45, %dma_wait3A_83] : memref<2560x128xi32, #tpu.memory_space<hbm>> -> memref<1x128xi32, #tpu.memory_space<hbm>>
        %dma_wait3A_85 = tpu.memref_squeeze %dma_wait3A_84 : memref<1x128xi32, #tpu.memory_space<hbm>> -> memref<128xi32, #tpu.memory_space<hbm>>
        tpu.wait_dma2 semaphore(%run_scoped3A_61 : memref<!tpu.dma_semaphore, #tpu.memory_space<semaphore_mem>>) src(%dma_wait3A_85 : memref<128xi32, #tpu.memory_space<hbm>>) dst(%dma_wait3A_82 : memref<128xi32, #tpu.memory_space<vmem>>)
        tpu.yield
      }) : () -> ()
      %dma_start3A = arith.constant 0 : i32
      %dma_start3A_47 = arith.constant 0 : i32
      %dma_start3A_48 = tpu.memref_slice %arg6[%dma_start3A, %dma_start3A_47] : memref<40x128xi32, #tpu.memory_space<vmem>> -> memref<1x128xi32, #tpu.memory_space<vmem>>
      %dma_start3A_49 = tpu.memref_squeeze %dma_start3A_48 : memref<1x128xi32, #tpu.memory_space<vmem>> -> memref<128xi32, #tpu.memory_space<vmem>>
      %dma_start3A_50 = arith.constant 0 : i32
      %dma_start3A_51 = arith.constant 0 : i32
      %dma_start3A_52 = tpu.memref_slice %arg2[%dma_start3A_50, %dma_start3A_51] : memref<10240x128xf32, #tpu.memory_space<hbm>> -> memref<10240x128xf32, #tpu.memory_space<hbm>>
      tpu.enqueue_indirect_dma source(%dma_start3A_52 : memref<10240x128xf32, #tpu.memory_space<hbm>>) target(%arg8 : memref<128x128xf32, #tpu.memory_space<vmem>>) offsets(%dma_start3A_49 : memref<128xi32, #tpu.memory_space<vmem>>) semaphore(%arg11 : memref<!tpu.dma_semaphore, #tpu.memory_space<semaphore_mem>>)
      %dma_wait3A = arith.constant 0 : i32
      %dma_wait3A_53 = arith.constant 0 : i32
      %dma_wait3A_54 = tpu.memref_slice %arg6[%dma_wait3A, %dma_wait3A_53] : memref<40x128xi32, #tpu.memory_space<vmem>> -> memref<1x128xi32, #tpu.memory_space<vmem>>
      %dma_wait3A_55 = tpu.memref_squeeze %dma_wait3A_54 : memref<1x128xi32, #tpu.memory_space<vmem>> -> memref<128xi32, #tpu.memory_space<vmem>>
      %dma_wait3A_56 = arith.constant 0 : i32
      %dma_wait3A_57 = arith.constant 0 : i32
      %dma_wait3A_58 = tpu.memref_slice %arg2[%dma_wait3A_56, %dma_wait3A_57] : memref<10240x128xf32, #tpu.memory_space<hbm>> -> memref<10240x128xf32, #tpu.memory_space<hbm>>
      tpu.wait_indirect_dma semaphore(%arg11 : memref<!tpu.dma_semaphore, #tpu.memory_space<semaphore_mem>>) src(%dma_wait3A_58 : memref<10240x128xf32, #tpu.memory_space<hbm>>) dst(%arg8 : memref<128x128xf32, #tpu.memory_space<vmem>>)
      %run_scoped3A_59 = arith.constant 0 : i32
      "tpu.region"() ({
        %run_scoped3A_61 = tpu.sem_alloc : memref<!tpu.dma_semaphore, #tpu.memory_space<semaphore_mem>>
        %dma_start3A_62 = arith.constant 0 : i32
        %dma_start3A_63 = tpu.memref_slice %arg7[%run_scoped3A_59, %dma_start3A_62] : memref<40x128xi32, #tpu.memory_space<vmem>> -> memref<1x128xi32, #tpu.memory_space<vmem>>
        %dma_start3A_64 = tpu.memref_squeeze %dma_start3A_63 : memref<1x128xi32, #tpu.memory_space<vmem>> -> memref<128xi32, #tpu.memory_space<vmem>>
        %dma_start3A_65 = arith.constant 0 : i32
        %dma_start3A_66 = arith.constant 0 : i32
        %dma_start3A_67 = tpu.memref_slice %arg10[%dma_start3A_65, %dma_start3A_66] : memref<10240x128xf32, #tpu.memory_space<vmem_shared>> -> memref<10240x128xf32, #tpu.memory_space<vmem_shared>>
        tpu.enqueue_indirect_dma source(%arg8 : memref<128x128xf32, #tpu.memory_space<vmem>>) target(%dma_start3A_67 : memref<10240x128xf32, #tpu.memory_space<vmem_shared>>) offsets(%dma_start3A_64 : memref<128xi32, #tpu.memory_space<vmem>>) semaphore(%run_scoped3A_61 : memref<!tpu.dma_semaphore, #tpu.memory_space<semaphore_mem>>) {add = true}
        %dma_wait3A_68 = arith.constant 0 : i32
        %dma_wait3A_69 = tpu.memref_slice %arg7[%run_scoped3A_59, %dma_wait3A_68] : memref<40x128xi32, #tpu.memory_space<vmem>> -> memref<1x128xi32, #tpu.memory_space<vmem>>
        %dma_wait3A_70 = tpu.memref_squeeze %dma_wait3A_69 : memref<1x128xi32, #tpu.memory_space<vmem>> -> memref<128xi32, #tpu.memory_space<vmem>>
        %dma_wait3A_71 = arith.constant 0 : i32
        %dma_wait3A_72 = arith.constant 0 : i32
        %dma_wait3A_73 = tpu.memref_slice %arg10[%dma_wait3A_71, %dma_wait3A_72] : memref<10240x128xf32, #tpu.memory_space<vmem_shared>> -> memref<10240x128xf32, #tpu.memory_space<vmem_shared>>
        tpu.wait_indirect_dma semaphore(%run_scoped3A_61 : memref<!tpu.dma_semaphore, #tpu.memory_space<semaphore_mem>>) src(%arg8 : memref<128x128xf32, #tpu.memory_space<vmem>>) dst(%dma_wait3A_73 : memref<10240x128xf32, #tpu.memory_space<vmem_shared>>)
        tpu.yield
      }) : () -> ()
      %scan3A_60 = arith.constant 0 : i32
      scf.yield %scan3A_60 : i32
    }
    %scan3A_36 = arith.constant 80 : i32
    %barrier3A_37 = arith.constant 0 : index
    tpu.barrier barrier_id(%barrier3A_37)
    %mul3A_38 = arith.constant 640 : i32
    %mul3A_39 = arith.muli %arg1, %mul3A_38 : i32
    %mul3A_40 = arith.constant 640 : i32
    %mul3A_41 = arith.muli %arg1, %mul3A_40 : i32
    "tpu.region"() ({
      %run_scoped3A = tpu.sem_alloc : memref<!tpu.dma_semaphore, #tpu.memory_space<semaphore_mem>>
      %dma_start3A = arith.constant 0 : i32
      %dma_start3A_42 = tpu.memref_slice %arg5[%arg0, %mul3A_41, %dma_start3A] : memref<2x10240x128xf32, #tpu.memory_space<hbm>> -> memref<1x640x128xf32, #tpu.memory_space<hbm>>
      %dma_start3A_43 = tpu.memref_squeeze %dma_start3A_42 : memref<1x640x128xf32, #tpu.memory_space<hbm>> -> memref<640x128xf32, #tpu.memory_space<hbm>>
      %dma_start3A_44 = arith.constant 0 : i32
      %dma_start3A_45 = tpu.memref_slice %arg10[%mul3A_39, %dma_start3A_44] : memref<10240x128xf32, #tpu.memory_space<vmem_shared>> -> memref<640x128xf32, #tpu.memory_space<vmem_shared>>
      tpu.enqueue_dma source(%dma_start3A_45 : memref<640x128xf32, #tpu.memory_space<vmem_shared>>) target(%dma_start3A_43 : memref<640x128xf32, #tpu.memory_space<hbm>>) target_semaphore(%run_scoped3A : memref<!tpu.dma_semaphore, #tpu.memory_space<semaphore_mem>>)
      %dma_wait3A = arith.constant 0 : i32
      %dma_wait3A_46 = tpu.memref_slice %arg5[%arg0, %mul3A_41, %dma_wait3A] : memref<2x10240x128xf32, #tpu.memory_space<hbm>> -> memref<1x640x128xf32, #tpu.memory_space<hbm>>
      %dma_wait3A_47 = tpu.memref_squeeze %dma_wait3A_46 : memref<1x640x128xf32, #tpu.memory_space<hbm>> -> memref<640x128xf32, #tpu.memory_space<hbm>>
      %dma_wait3A_48 = arith.constant 0 : i32
      %dma_wait3A_49 = tpu.memref_slice %arg10[%mul3A_39, %dma_wait3A_48] : memref<10240x128xf32, #tpu.memory_space<vmem_shared>> -> memref<640x128xf32, #tpu.memory_space<vmem_shared>>
      tpu.wait_dma2 semaphore(%run_scoped3A : memref<!tpu.dma_semaphore, #tpu.memory_space<semaphore_mem>>) src(%dma_wait3A_49 : memref<640x128xf32, #tpu.memory_space<vmem_shared>>) dst(%dma_wait3A_47 : memref<640x128xf32, #tpu.memory_space<hbm>>)
      tpu.yield
    }) : () -> ()
    return
  }
}

module attributes {stable_mosaic.version = 14 : i64} {
  func.func @_tc1_body(%arg0: i32, %arg1: memref<2x1280x128xf32, #tpu.memory_space<vmem>>, %arg2: memref<1280x128xf32, #tpu.memory_space<vmem>>, %arg3: memref<128x128xf32, #tpu.memory_space<vmem>>, %arg4: memref<1280x128xf32, #tpu.memory_space<vmem>>, %arg5: memref<1280x1xf32, #tpu.memory_space<vmem>>) attributes {dimension_semantics = [#tpu.dimension_semantics<arbitrary>], iteration_bounds = array<i64: 8>, scalar_prefetch = 0 : i64, scratch_operands = 0 : i64, tpu.core_type = #tpu.core_type<tc>, window_params = [{transform_indices = @transform_0, window_bounds = array<i64: 2, 1280, 128>}, {transform_indices = @transform_1, window_bounds = array<i64: 1280, 128>}, {pipeline_mode = #tpu.pipeline_mode<synchronous>, transform_indices = @transform_2, window_bounds = array<i64: 128, 128>}, {transform_indices = @transform_3, window_bounds = array<i64: 1280, 128>}, {transform_indices = @transform_4, window_bounds = array<i64: 1280, 1>}]} {
    %get3A = arith.constant 0 : index
    %get3A_0 = arith.constant 0 : index
    %get3A_1 = arith.constant 0 : index
    %get3A_2 = vector.load %arg1[%get3A, %get3A_0, %get3A_1] : memref<2x1280x128xf32, #tpu.memory_space<vmem>>, vector<1x1280x1xf32>
    %get3A_3 = vector.shape_cast %get3A_2 : vector<1x1280x1xf32> to vector<1280x1xf32>
    %get3A_4 = arith.constant 1 : index
    %get3A_5 = arith.constant 0 : index
    %get3A_6 = arith.constant 0 : index
    %get3A_7 = vector.load %arg1[%get3A_4, %get3A_5, %get3A_6] : memref<2x1280x128xf32, #tpu.memory_space<vmem>>, vector<1x1280x1xf32>
    %get3A_8 = vector.shape_cast %get3A_7 : vector<1x1280x1xf32> to vector<1280x1xf32>
    %add3A = arith.addf %get3A_3, %get3A_8 : vector<1280x1xf32>
    %gt3A = arith.constant 0.000000e+00 : f32
    %gt3A_9 = vector.broadcast %gt3A : f32 to vector<1280x1xf32>
    %gt3A_10 = arith.cmpf ogt, %add3A, %gt3A_9 : vector<1280x1xf32>
    %rsqrt3A = math.rsqrt %add3A : vector<1280x1xf32>
    %jit3A = arith.constant 0.000000e+00 : f32
    %broadcast_in_dim3A = vector.broadcast %jit3A : f32 to vector<1280x1xf32>
    %select_n3A = arith.select %gt3A_10, %rsqrt3A, %broadcast_in_dim3A : vector<1280x1xi1>, vector<1280x1xf32>
    %get3A_11 = arith.constant 0 : index
    %get3A_12 = arith.constant 0 : index
    %get3A_13 = vector.load %arg2[%get3A_11, %get3A_12] : memref<1280x128xf32, #tpu.memory_space<vmem>>, vector<1280x128xf32>
    %get3A_14 = arith.constant 0 : index
    %get3A_15 = arith.constant 0 : index
    %get3A_16 = vector.load %arg3[%get3A_14, %get3A_15] : memref<128x128xf32, #tpu.memory_space<vmem>>, vector<128x128xf32>
    %dot_general3A = arith.constant dense<0.000000e+00> : vector<1280x128xf32>
    %dot_general3A_17 = tpu.matmul %get3A_13, %get3A_16, %dot_general3A {dimension_numbers = #tpu.dot_dimension_numbers<[1], [1], [0], [0], [0, 0, 1, 0], [], []>, transpose_lhs_hint = false} : vector<1280x128xf32>, vector<128x128xf32>, vector<1280x128xf32> -> vector<1280x128xf32>
    %mul3A = vector.broadcast %select_n3A : vector<1280x1xf32> to vector<1280x128xf32>
    %mul3A_18 = arith.mulf %mul3A, %dot_general3A_17 : vector<1280x128xf32>
    %swap3A = arith.constant 0 : index
    %swap3A_19 = arith.constant 0 : index
    %swap3A_20 = vector.load %arg4[%swap3A, %swap3A_19] : memref<1280x128xf32, #tpu.memory_space<vmem>>, vector<1280x128xf32>
    tpu.vector_store %arg4[%swap3A, %swap3A_19], %mul3A_18 {strides = array<i32>} : memref<1280x128xf32, #tpu.memory_space<vmem>>, vector<1280x128xf32>,
    %swap3A_21 = arith.constant 0 : index
    %swap3A_22 = arith.constant 0 : index
    %swap3A_23 = vector.load %arg5[%swap3A_21, %swap3A_22] : memref<1280x1xf32, #tpu.memory_space<vmem>>, vector<1280x1xf32>
    tpu.vector_store %arg5[%swap3A_21, %swap3A_22], %select_n3A {strides = array<i32>} : memref<1280x1xf32, #tpu.memory_space<vmem>>, vector<1280x1xf32>,
    return
  }
  func.func @transform_0(%arg0: i32) -> (i32, i32, i32) {
    %c0_i32 = arith.constant 0 : i32
    %c0_i32_0 = arith.constant 0 : i32
    %c0_i32_1 = arith.constant 0 : i32
    return %c0_i32, %arg0, %c0_i32_0 : i32, i32, i32
  }
  func.func @transform_1(%arg0: i32) -> (i32, i32) {
    %c0_i32 = arith.constant 0 : i32
    %c0_i32_0 = arith.constant 0 : i32
    return %arg0, %c0_i32 : i32, i32
  }
  func.func @transform_2(%arg0: i32) -> (i32, i32) {
    %c0_i32 = arith.constant 0 : i32
    %c0_i32_0 = arith.constant 0 : i32
    %c0_i32_1 = arith.constant 0 : i32
    return %c0_i32, %c0_i32_0 : i32, i32
  }
  func.func @transform_3(%arg0: i32) -> (i32, i32) {
    %c0_i32 = arith.constant 0 : i32
    %c0_i32_0 = arith.constant 0 : i32
    return %arg0, %c0_i32 : i32, i32
  }
  func.func @transform_4(%arg0: i32) -> (i32, i32) {
    %c0_i32 = arith.constant 0 : i32
    %c0_i32_0 = arith.constant 0 : i32
    return %arg0, %c0_i32 : i32, i32
  }
}

module attributes {stable_mosaic.version = 14 : i64} {
  func.func @_tc2_body(%arg0: i32, %arg1: memref<2x1280x128xf32, #tpu.memory_space<vmem>>, %arg2: memref<1280x1xf32, #tpu.memory_space<vmem>>, %arg3: memref<1x128xf32, #tpu.memory_space<vmem>>, %arg4: memref<128x128xf32, #tpu.memory_space<vmem>>, %arg5: memref<1280x128xf32, #tpu.memory_space<vmem>>) attributes {dimension_semantics = [#tpu.dimension_semantics<arbitrary>], iteration_bounds = array<i64: 8>, scalar_prefetch = 0 : i64, scratch_operands = 0 : i64, tpu.core_type = #tpu.core_type<tc>, window_params = [{transform_indices = @transform_0, window_bounds = array<i64: 2, 1280, 128>}, {transform_indices = @transform_1, window_bounds = array<i64: 1280, 1>}, {pipeline_mode = #tpu.pipeline_mode<synchronous>, transform_indices = @transform_2, window_bounds = array<i64: 1, 128>}, {pipeline_mode = #tpu.pipeline_mode<synchronous>, transform_indices = @transform_3, window_bounds = array<i64: 128, 128>}, {transform_indices = @transform_4, window_bounds = array<i64: 1280, 128>}]} {
    %get3A = arith.constant 0 : index
    %get3A_0 = arith.constant 0 : index
    %get3A_1 = vector.load %arg2[%get3A, %get3A_0] : memref<1280x1xf32, #tpu.memory_space<vmem>>, vector<1280x1xf32>
    %get3A_2 = arith.constant 0 : index
    %get3A_3 = arith.constant 0 : index
    %get3A_4 = arith.constant 0 : index
    %get3A_5 = vector.load %arg1[%get3A_2, %get3A_3, %get3A_4] : memref<2x1280x128xf32, #tpu.memory_space<vmem>>, vector<1x1280x128xf32>
    %get3A_6 = vector.shape_cast %get3A_5 : vector<1x1280x128xf32> to vector<1280x128xf32>
    %get3A_7 = arith.constant 1 : index
    %get3A_8 = arith.constant 0 : index
    %get3A_9 = arith.constant 0 : index
    %get3A_10 = vector.load %arg1[%get3A_7, %get3A_8, %get3A_9] : memref<2x1280x128xf32, #tpu.memory_space<vmem>>, vector<1x1280x128xf32>
    %get3A_11 = vector.shape_cast %get3A_10 : vector<1x1280x128xf32> to vector<1280x128xf32>
    %add3A = arith.addf %get3A_6, %get3A_11 : vector<1280x128xf32>
    %mul3A = vector.broadcast %get3A_1 : vector<1280x1xf32> to vector<1280x128xf32>
    %mul3A_12 = arith.mulf %mul3A, %add3A : vector<1280x128xf32>
    %get3A_13 = arith.constant 0 : index
    %get3A_14 = arith.constant 0 : index
    %get3A_15 = vector.load %arg3[%get3A_13, %get3A_14] : memref<1x128xf32, #tpu.memory_space<vmem>>, vector<1x128xf32>
    %add3A_16 = vector.broadcast %get3A_15 : vector<1x128xf32> to vector<1280x128xf32>
    %add3A_17 = arith.addf %mul3A_12, %add3A_16 : vector<1280x128xf32>
    %max3A = arith.constant 0.000000e+00 : f32
    %max3A_18 = vector.broadcast %max3A : f32 to vector<1280x128xf32>
    %max3A_19 = arith.maximumf %add3A_17, %max3A_18 : vector<1280x128xf32>
    %get3A_20 = arith.constant 0 : index
    %get3A_21 = arith.constant 0 : index
    %get3A_22 = vector.load %arg4[%get3A_20, %get3A_21] : memref<128x128xf32, #tpu.memory_space<vmem>>, vector<128x128xf32>
    %dot_general3A = arith.constant dense<0.000000e+00> : vector<1280x128xf32>
    %dot_general3A_23 = tpu.matmul %max3A_19, %get3A_22, %dot_general3A {dimension_numbers = #tpu.dot_dimension_numbers<[1], [1], [0], [0], [0, 0, 1, 0], [], []>, transpose_lhs_hint = false} : vector<1280x128xf32>, vector<128x128xf32>, vector<1280x128xf32> -> vector<1280x128xf32>
    %mul3A_24 = vector.broadcast %get3A_1 : vector<1280x1xf32> to vector<1280x128xf32>
    %mul3A_25 = arith.mulf %mul3A_24, %dot_general3A_23 : vector<1280x128xf32>
    %swap3A = arith.constant 0 : index
    %swap3A_26 = arith.constant 0 : index
    %swap3A_27 = vector.load %arg5[%swap3A, %swap3A_26] : memref<1280x128xf32, #tpu.memory_space<vmem>>, vector<1280x128xf32>
    tpu.vector_store %arg5[%swap3A, %swap3A_26], %mul3A_25 {strides = array<i32>} : memref<1280x128xf32, #tpu.memory_space<vmem>>, vector<1280x128xf32>,
    return
  }
  func.func @transform_0(%arg0: i32) -> (i32, i32, i32) {
    %c0_i32 = arith.constant 0 : i32
    %c0_i32_0 = arith.constant 0 : i32
    %c0_i32_1 = arith.constant 0 : i32
    return %c0_i32, %arg0, %c0_i32_0 : i32, i32, i32
  }
  func.func @transform_1(%arg0: i32) -> (i32, i32) {
    %c0_i32 = arith.constant 0 : i32
    %c0_i32_0 = arith.constant 0 : i32
    return %arg0, %c0_i32 : i32, i32
  }
  func.func @transform_2(%arg0: i32) -> (i32, i32) {
    %c0_i32 = arith.constant 0 : i32
    %c0_i32_0 = arith.constant 0 : i32
    %c0_i32_1 = arith.constant 0 : i32
    return %c0_i32, %c0_i32_0 : i32, i32
  }
  func.func @transform_3(%arg0: i32) -> (i32, i32) {
    %c0_i32 = arith.constant 0 : i32
    %c0_i32_0 = arith.constant 0 : i32
    %c0_i32_1 = arith.constant 0 : i32
    return %c0_i32, %c0_i32_0 : i32, i32
  }
  func.func @transform_4(%arg0: i32) -> (i32, i32) {
    %c0_i32 = arith.constant 0 : i32
    %c0_i32_0 = arith.constant 0 : i32
    return %arg0, %c0_i32 : i32, i32
  }
}

module attributes {stable_mosaic.version = 14 : i64} {
  func.func @_tc3_body(%arg0: i32, %arg1: memref<2x1280x128xf32, #tpu.memory_space<vmem>>, %arg2: memref<1280x1xf32, #tpu.memory_space<vmem>>, %arg3: memref<1x128xf32, #tpu.memory_space<vmem>>, %arg4: memref<1280x1xi32, #tpu.memory_space<vmem>>, %arg5: memref<10x128xf32, #tpu.memory_space<vmem>>, %arg6: memref<1x10xf32, #tpu.memory_space<vmem>>, %arg7: memref<64x10xf32, #tpu.memory_space<vmem>>, %arg8: memref<64x128xf32, #tpu.memory_space<vmem>>, %arg9: memref<64x1xf32, #tpu.memory_space<vmem>>) attributes {dimension_semantics = [#tpu.dimension_semantics<arbitrary>], iteration_bounds = array<i64: 8>, scalar_prefetch = 0 : i64, scratch_operands = 2 : i64, tpu.core_type = #tpu.core_type<tc>, window_params = [{transform_indices = @transform_0, window_bounds = array<i64: 2, 1280, 128>}, {transform_indices = @transform_1, window_bounds = array<i64: 1280, 1>}, {pipeline_mode = #tpu.pipeline_mode<synchronous>, transform_indices = @transform_2, window_bounds = array<i64: 1, 128>}, {transform_indices = @transform_3, window_bounds = array<i64: 1280, 1>}, {pipeline_mode = #tpu.pipeline_mode<synchronous>, transform_indices = @transform_4, window_bounds = array<i64: 10, 128>}, {pipeline_mode = #tpu.pipeline_mode<synchronous>, transform_indices = @transform_5, window_bounds = array<i64: 1, 10>}, {pipeline_mode = #tpu.pipeline_mode<synchronous>, transform_indices = @transform_6, window_bounds = array<i64: 64, 10>}]} {
    %eq3A = arith.constant 0 : i32
    %eq3A_0 = arith.cmpi eq, %arg0, %eq3A : i32
    %convert_element_type3A = arith.extui %eq3A_0 : i1 to i32
    %cond3A = arith.constant 0 : i32
    %cond3A_1 = arith.cmpi ne, %convert_element_type3A, %cond3A : i32
    scf.if %cond3A_1 {
      %broadcast_in_dim3A_49 = arith.constant 0.000000e+00 : f32
      %broadcast_in_dim3A_50 = vector.broadcast %broadcast_in_dim3A_49 : f32 to vector<64x128xf32>
      %swap3A_51 = arith.constant 0 : index
      %swap3A_52 = arith.constant 0 : index
      %swap3A_53 = vector.load %arg8[%swap3A_51, %swap3A_52] : memref<64x128xf32, #tpu.memory_space<vmem>>, vector<64x128xf32>
      tpu.vector_store %arg8[%swap3A_51, %swap3A_52], %broadcast_in_dim3A_50 {strides = array<i32>} : memref<64x128xf32, #tpu.memory_space<vmem>>, vector<64x128xf32>,
      %broadcast_in_dim3A_54 = arith.constant 0.000000e+00 : f32
      %broadcast_in_dim3A_55 = vector.broadcast %broadcast_in_dim3A_54 : f32 to vector<64x1xf32>
      %swap3A_56 = arith.constant 0 : index
      %swap3A_57 = arith.constant 0 : index
      %swap3A_58 = vector.load %arg9[%swap3A_56, %swap3A_57] : memref<64x1xf32, #tpu.memory_space<vmem>>, vector<64x1xf32>
      tpu.vector_store %arg9[%swap3A_56, %swap3A_57], %broadcast_in_dim3A_55 {strides = array<i32>} : memref<64x1xf32, #tpu.memory_space<vmem>>, vector<64x1xf32>,
    } else {
    }
    %get3A = arith.constant 0 : index
    %get3A_2 = arith.constant 0 : index
    %get3A_3 = vector.load %arg2[%get3A, %get3A_2] : memref<1280x1xf32, #tpu.memory_space<vmem>>, vector<1280x1xf32>
    %get3A_4 = arith.constant 0 : index
    %get3A_5 = arith.constant 0 : index
    %get3A_6 = arith.constant 0 : index
    %get3A_7 = vector.load %arg1[%get3A_4, %get3A_5, %get3A_6] : memref<2x1280x128xf32, #tpu.memory_space<vmem>>, vector<1x1280x128xf32>
    %get3A_8 = vector.shape_cast %get3A_7 : vector<1x1280x128xf32> to vector<1280x128xf32>
    %get3A_9 = arith.constant 1 : index
    %get3A_10 = arith.constant 0 : index
    %get3A_11 = arith.constant 0 : index
    %get3A_12 = vector.load %arg1[%get3A_9, %get3A_10, %get3A_11] : memref<2x1280x128xf32, #tpu.memory_space<vmem>>, vector<1x1280x128xf32>
    %get3A_13 = vector.shape_cast %get3A_12 : vector<1x1280x128xf32> to vector<1280x128xf32>
    %add3A = arith.addf %get3A_8, %get3A_13 : vector<1280x128xf32>
    %mul3A = vector.broadcast %get3A_3 : vector<1280x1xf32> to vector<1280x128xf32>
    %mul3A_14 = arith.mulf %mul3A, %add3A : vector<1280x128xf32>
    %get3A_15 = arith.constant 0 : index
    %get3A_16 = arith.constant 0 : index
    %get3A_17 = vector.load %arg3[%get3A_15, %get3A_16] : memref<1x128xf32, #tpu.memory_space<vmem>>, vector<1x128xf32>
    %add3A_18 = vector.broadcast %get3A_17 : vector<1x128xf32> to vector<1280x128xf32>
    %add3A_19 = arith.addf %mul3A_14, %add3A_18 : vector<1280x128xf32>
    %get3A_20 = arith.constant 0 : index
    %get3A_21 = arith.constant 0 : index
    %get3A_22 = vector.load %arg4[%get3A_20, %get3A_21] : memref<1280x1xi32, #tpu.memory_space<vmem>>, vector<1280x1xi32>
    %iota3A = tpu.iota {dimensions = array<i32: 1>} : vector<1280x64xi32>
    %eq3A_23 = vector.broadcast %get3A_22 : vector<1280x1xi32> to vector<1280x64xi32>
    %eq3A_24 = arith.cmpi eq, %eq3A_23, %iota3A : vector<1280x64xi32>
    %convert_element_type3A_25 = arith.extui %eq3A_24 : vector<1280x64xi1> to vector<1280x64xi32>
    %convert_element_type3A_26 = arith.sitofp %convert_element_type3A_25 : vector<1280x64xi32> to vector<1280x64xf32>
    %get3A_27 = arith.constant 0 : index
    %get3A_28 = arith.constant 0 : index
    %get3A_29 = vector.load %arg8[%get3A_27, %get3A_28] : memref<64x128xf32, #tpu.memory_space<vmem>>, vector<64x128xf32>
    %dot_general3A = arith.constant dense<0.000000e+00> : vector<64x128xf32>
    %dot_general3A_30 = tpu.matmul %convert_element_type3A_26, %add3A_19, %dot_general3A {dimension_numbers = #tpu.dot_dimension_numbers<[0], [0], [1], [1], [0, 1, 1, 1], [], []>, transpose_lhs_hint = false} : vector<1280x64xf32>, vector<1280x128xf32>, vector<64x128xf32> -> vector<64x128xf32>
    %add3A_31 = arith.addf %get3A_29, %dot_general3A_30 : vector<64x128xf32>
    %swap3A = arith.constant 0 : index
    %swap3A_32 = arith.constant 0 : index
    %swap3A_33 = vector.load %arg8[%swap3A, %swap3A_32] : memref<64x128xf32, #tpu.memory_space<vmem>>, vector<64x128xf32>
    tpu.vector_store %arg8[%swap3A, %swap3A_32], %add3A_31 {strides = array<i32>} : memref<64x128xf32, #tpu.memory_space<vmem>>, vector<64x128xf32>,
    %get3A_34 = arith.constant 0 : index
    %get3A_35 = arith.constant 0 : index
    %get3A_36 = vector.load %arg9[%get3A_34, %get3A_35] : memref<64x1xf32, #tpu.memory_space<vmem>>, vector<64x1xf32>
    %broadcast_in_dim3A = arith.constant 1.000000e+00 : f32
    %broadcast_in_dim3A_37 = vector.broadcast %broadcast_in_dim3A : f32 to vector<1280x1xf32>
    %dot_general3A_38 = arith.constant dense<0.000000e+00> : vector<64x1xf32>
    %dot_general3A_39 = tpu.matmul %convert_element_type3A_26, %broadcast_in_dim3A_37, %dot_general3A_38 {dimension_numbers = #tpu.dot_dimension_numbers<[0], [0], [1], [1], [0, 1, 1, 1], [], []>, transpose_lhs_hint = false} : vector<1280x64xf32>, vector<1280x1xf32>, vector<64x1xf32> -> vector<64x1xf32>
    %add3A_40 = arith.addf %get3A_36, %dot_general3A_39 : vector<64x1xf32>
    %swap3A_41 = arith.constant 0 : index
    %swap3A_42 = arith.constant 0 : index
    %swap3A_43 = vector.load %arg9[%swap3A_41, %swap3A_42] : memref<64x1xf32, #tpu.memory_space<vmem>>, vector<64x1xf32>
    tpu.vector_store %arg9[%swap3A_41, %swap3A_42], %add3A_40 {strides = array<i32>} : memref<64x1xf32, #tpu.memory_space<vmem>>, vector<64x1xf32>,
    %eq3A_44 = arith.constant 7 : i32
    %eq3A_45 = arith.cmpi eq, %arg0, %eq3A_44 : i32
    %convert_element_type3A_46 = arith.extui %eq3A_45 : i1 to i32
    %cond3A_47 = arith.constant 0 : i32
    %cond3A_48 = arith.cmpi ne, %convert_element_type3A_46, %cond3A_47 : i32
    scf.if %cond3A_48 {
      %get3A_49 = arith.constant 0 : index
      %get3A_50 = arith.constant 0 : index
      %get3A_51 = vector.load %arg8[%get3A_49, %get3A_50] : memref<64x128xf32, #tpu.memory_space<vmem>>, vector<64x128xf32>
      %get3A_52 = arith.constant 0 : index
      %get3A_53 = arith.constant 0 : index
      %get3A_54 = vector.load %arg9[%get3A_52, %get3A_53] : memref<64x1xf32, #tpu.memory_space<vmem>>, vector<64x1xf32>
      %max3A = arith.constant 1.000000e+00 : f32
      %max3A_55 = vector.broadcast %max3A : f32 to vector<64x1xf32>
      %max3A_56 = arith.maximumf %get3A_54, %max3A_55 : vector<64x1xf32>
      %div3A = vector.broadcast %max3A_56 : vector<64x1xf32> to vector<64x128xf32>
      %div3A_57 = arith.divf %get3A_51, %div3A : vector<64x128xf32>
      %get3A_58 = arith.constant 0 : index
      %get3A_59 = arith.constant 0 : index
      %get3A_60 = vector.load %arg5[%get3A_58, %get3A_59] : memref<10x128xf32, #tpu.memory_space<vmem>>, vector<10x128xf32>
      %dot_general3A_61 = arith.constant dense<0.000000e+00> : vector<64x10xf32>
      %dot_general3A_62 = tpu.matmul %div3A_57, %get3A_60, %dot_general3A_61 {dimension_numbers = #tpu.dot_dimension_numbers<[1], [1], [0], [0], [0, 0, 1, 0], [], []>, transpose_lhs_hint = false} : vector<64x128xf32>, vector<10x128xf32>, vector<64x10xf32> -> vector<64x10xf32>
      %get3A_63 = arith.constant 0 : index
      %get3A_64 = arith.constant 0 : index
      %get3A_65 = vector.load %arg6[%get3A_63, %get3A_64] : memref<1x10xf32, #tpu.memory_space<vmem>>, vector<1x10xf32>
      %add3A_66 = vector.broadcast %get3A_65 : vector<1x10xf32> to vector<64x10xf32>
      %add3A_67 = arith.addf %dot_general3A_62, %add3A_66 : vector<64x10xf32>
      %swap3A_68 = arith.constant 0 : index
      %swap3A_69 = arith.constant 0 : index
      %swap3A_70 = vector.load %arg7[%swap3A_68, %swap3A_69] : memref<64x10xf32, #tpu.memory_space<vmem>>, vector<64x10xf32>
      tpu.vector_store %arg7[%swap3A_68, %swap3A_69], %add3A_67 {strides = array<i32>} : memref<64x10xf32, #tpu.memory_space<vmem>>, vector<64x10xf32>,
    } else {
    }
    return
  }
  func.func @transform_0(%arg0: i32) -> (i32, i32, i32) {
    %c0_i32 = arith.constant 0 : i32
    %c0_i32_0 = arith.constant 0 : i32
    %c0_i32_1 = arith.constant 0 : i32
    return %c0_i32, %arg0, %c0_i32_0 : i32, i32, i32
  }
  func.func @transform_1(%arg0: i32) -> (i32, i32) {
    %c0_i32 = arith.constant 0 : i32
    %c0_i32_0 = arith.constant 0 : i32
    return %arg0, %c0_i32 : i32, i32
  }
  func.func @transform_2(%arg0: i32) -> (i32, i32) {
    %c0_i32 = arith.constant 0 : i32
    %c0_i32_0 = arith.constant 0 : i32
    %c0_i32_1 = arith.constant 0 : i32
    return %c0_i32, %c0_i32_0 : i32, i32
  }
  func.func @transform_3(%arg0: i32) -> (i32, i32) {
    %c0_i32 = arith.constant 0 : i32
    %c0_i32_0 = arith.constant 0 : i32
    return %arg0, %c0_i32 : i32, i32
  }
  func.func @transform_4(%arg0: i32) -> (i32, i32) {
    %c0_i32 = arith.constant 0 : i32
    %c0_i32_0 = arith.constant 0 : i32
    %c0_i32_1 = arith.constant 0 : i32
    return %c0_i32, %c0_i32_0 : i32, i32
  }
  func.func @transform_5(%arg0: i32) -> (i32, i32) {
    %c0_i32 = arith.constant 0 : i32
    %c0_i32_0 = arith.constant 0 : i32
    %c0_i32_1 = arith.constant 0 : i32
    return %c0_i32, %c0_i32_0 : i32, i32
  }
  func.func @transform_6(%arg0: i32) -> (i32, i32) {
    %c0_i32 = arith.constant 0 : i32
    %c0_i32_0 = arith.constant 0 : i32
    %c0_i32_1 = arith.constant 0 : i32
    return %c0_i32, %c0_i32_0 : i32, i32
  }
}

</mosaic_0001>

<sc_bundles>
// kernel: kernel.11.cloned.1.call-start
scs
__scs_entry_jumppad:
0x0: {  	(pc) =	sbr.rel $0x88, $3  }
0x1: {  	(tag) =	ssettag $0x0;
	lr =	simm.s32 $0x1  }
0x2: {  	[smem:$0x3F98] =	sst lr;
	_ =	strace $0xD0000000  }
0x3: {  	_ = 	snop  }
0x4: {  	_ = 	snop  }
0x5: {  	_ = 	snop  }
0x6: {  	_ = 	snop  }
0x7: {  	_ = 	snop  }
__scs_overlays_trampoline_lowered:
0x8: {  	[smem:$0x3FA7] =	sst s0  }
0x9: {  	[smem:$0x3FA8] =	sst s1  }
0xa: {  	[smem:$0x3FA9] =	sst s2  }
0xb: {  	[smem:$0x3FAA] =	sst s3  }
0xc: {  	[smem:$0x3FAB] =	sst s4  }
0xd: {  	[smem:$0x3FAC] =	sst s5  }
0xe: {  	[smem:$0x3FAD] =	sst s6  }
0xf: {  	[smem:$0x3FAE] =	sst s7  }
0x10: {  	[smem:$0x3FAF] =	sst s8  }
0x11: {  	[smem:$0x3FB0] =	sst s9;
	s0 =	simm.s32 @!p0 $0x0  }
0x12: {  	s1 =	sld [smem:$0x3F96];
	s0 =	simm.s32 @p0 $0x1  }
0x13: {  	[smem:$0x3FB1] =	sst s0;
	s0 =	simm.s32 @!p1 $0x0  }
0x14: {  	s2 =	sld [smem:$0x3F95];
	s0 =	simm.s32 @p1 $0x1  }
0x15: {  	[smem:$0x3FB2] =	sst s0;
	s0 =	simm.s32 @!p2 $0x0  }
0x16: {  	s3 =	sld [smem:$0x3FDB];
	s0 =	simm.s32 @p2 $0x1  }
0x17: {  	s4 =	simm.s32 $0x1BF5;
	[smem:$0x3FB4] =	sst s0  }
0x18: {  	s0 =	sld [smem:$0x3F97];
	_ =	swait.ge [sflag:s4], $0x0  }
0x19: {  	s7 =	sld [smem:$0x3F98]  }
0x1a: {  	s8 =	sadd.s32 $0xFFFFE003, lr  }
0x1b: {  	s9 =	sadd.s32 $0xFFFFFEF7, lr;
	s5 =	simm.s32 $0xFFFFFFFF;
	p2 =	slt.u32 s8, $0xFFFFF086  }
0x1c: {  	p1 =	slt.u32 s9, $0xF7A;
	s5 =	simm.s32 @!p2 $0x0  }
0x1d: {  	s5 =	simm.s32 @p1 $0x1;
	p0 =	seq.s32 s7, s2  }
0x1e: {  	s7 =	smul.u32 @!p0 $0xF7A, s2;
	p2 =	seq.s32 @!p0 s5, $0x0  }
0x1f: {  	s9 =	smul.u32 $0xF7A, s1;
	s8 =	simm.s32 @!p0 $0x1BF5;
	p2 =	por !p2, p0  }
0x20: {  	[sflag:s8] =	ssyncset.s32 @!p0 $0xFFFFF086;
	s6 =	sadd.s32 @!p0 s3, s7;
	s7 =	simm.s32 @!p0 $0x108  }
0x21: {  	s3 =	sadd.s32 s3, s9;
	s6 =	sadd.s32 @!p0 $0x88, s6;
	s7 =	simm.s32 @p2 $0x1082  }
0x22: {  	[simem:s7], [sflag:s8] =	dma.local @!p0 [hbm:s6], $0xF7A  }
0x23: {  	s9 =	sor.u32 $0xD0000000, s2;
	s6 =	simm.s32 $0x108;
	_ =	swait.ge @!p0 [sflag:s8], $0x0  }
0x24: {  	s3 =	sadd.s32 $0x88, s3;
	s6 =	simm.s32 @!p1 $0x1082;
	[sflag:s4] =	ssyncset.s32 $0xFFFFF086  }
0x25: {  	[simem:s6], [sflag:s4] =	dma.local [hbm:s3], $0xF7A  }
0x26: {  	[smem:$0x3F98] =	sst s1;
	(tag) =	ssettag s2;
	_ =	strace s9  }
0x27: {  	s1 =	sld [smem:$0x3FA8]  }
0x28: {  	s2 =	sld [smem:$0x3FA9]  }
0x29: {  	s4 =	sld [smem:$0x3FAB]  }
0x2a: {  	p0 =	seq.s32 s5, $0x0;
	s5 =	sld [smem:$0x3FAC]  }
0x2b: {  	s6 =	sld [smem:$0x3FAD]  }
0x2c: {  	s7 =	sld [smem:$0x3FAE]  }
0x2d: {  	s3 =	simm.s32 $0x108;
	s8 =	sld [smem:$0x3FAF]  }
0x2e: {  	s3 =	simm.s32 @!p0 $0x1082;
	s9 =	sld [smem:$0x3FB0]  }
0x2f: {  	lr =	sadd.s32 s0, s3;
	s0 =	sld [smem:$0x3FA7]  }
0x30: {  	s3 =	sld [smem:$0x3FAA]  }
0x31: {  	[smem:$0x3FB3] =	sst s10  }
0x32: {  	s10 =	sld [smem:$0x3FB1];
	_ =	sdelay $0x3  }
0x33: {  	p0 =	seq.s32 s10, $0x1;
	s10 =	sld [smem:$0x3FB3];
	_ =	sdelay $0x3  }
0x34: {  	[smem:$0x3FB3] =	sst s10  }
0x35: {  	s10 =	sld [smem:$0x3FB2];
	_ =	sdelay $0x3  }
0x36: {  	p1 =	seq.s32 s10, $0x1;
	s10 =	sld [smem:$0x3FB3];
	_ =	sdelay $0x3  }
0x37: {  	[smem:$0x3FB3] =	sst s10  }
0x38: {  	s10 =	sld [smem:$0x3FB4]  }
0x39: {  	_ = 	snop;
	(pc) =	sbr.ind lr, $3  }
0x3a: {  	_ = 	snop  }
0x3b: {  	_ = 	snop  }
0x3c: {  	p2 =	seq.s32 s10, $0x1;
	s10 =	sld [smem:$0x3FB3]  }
0x3d: {  	_ =	shalt  }
0x3e: {  	_ =	shalt  }
0x3f: {  	_ =	shalt  }
0x40: {  	_ =	shalt  }
0x41: {  	_ =	shalt  }
0x42: {  	_ =	shalt  }
0x43: {  	_ =	shalt  }
0x44: {  	_ =	shalt  }
0x45: {  	_ =	shalt  }
0x46: {  	_ =	shalt  }
0x47: {  	_ =	shalt  }
0x48: {  	_ =	shalt  }
0x49: {  	_ =	shalt  }
0x4a: {  	_ =	shalt  }
0x4b: {  	_ =	shalt  }
0x4c: {  	_ =	shalt  }
0x4d: {  	_ =	shalt  }
0x4e: {  	_ =	shalt  }
0x4f: {  	_ =	shalt  }
0x50: {  	_ =	shalt  }
0x51: {  	_ =	shalt  }
0x52: {  	_ =	shalt  }
0x53: {  	_ =	shalt  }
0x54: {  	_ =	shalt  }
0x55: {  	_ =	shalt  }
0x56: {  	_ =	shalt  }
0x57: {  	_ =	shalt  }
0x58: {  	_ =	shalt  }
0x59: {  	_ =	shalt  }
0x5a: {  	_ =	shalt  }
0x5b: {  	_ =	shalt  }
0x5c: {  	_ =	shalt  }
0x5d: {  	_ =	shalt  }
0x5e: {  	_ =	shalt  }
0x5f: {  	_ =	shalt  }
0x60: {  	_ =	shalt  }
0x61: {  	_ =	shalt  }
0x62: {  	_ =	shalt  }
0x63: {  	_ =	shalt  }
0x64: {  	_ =	shalt  }
0x65: {  	_ =	shalt  }
0x66: {  	_ =	shalt  }
0x67: {  	_ =	shalt  }
0x68: {  	_ =	shalt  }
0x69: {  	_ =	shalt  }
0x6a: {  	_ =	shalt  }
0x6b: {  	_ =	shalt  }
0x6c: {  	_ =	shalt  }
0x6d: {  	_ =	shalt  }
0x6e: {  	_ =	shalt  }
0x6f: {  	_ =	shalt  }
0x70: {  	_ =	shalt  }
0x71: {  	_ =	shalt  }
0x72: {  	_ =	shalt  }
0x73: {  	_ =	shalt  }
0x74: {  	_ =	shalt  }
0x75: {  	_ =	shalt  }
0x76: {  	_ =	shalt  }
0x77: {  	_ =	shalt  }
0x78: {  	_ =	shalt  }
0x79: {  	_ =	shalt  }
0x7a: {  	_ =	shalt  }
0x7b: {  	_ =	shalt  }
0x7c: {  	_ =	shalt  }
0x7d: {  	_ =	shalt  }
0x7e: {  	_ =	shalt  }
0x7f: {  	_ =	shalt  }
0x80: {  	_ =	shalt  }
0x81: {  	_ =	shalt  }
0x82: {  	_ =	shalt  }
0x83: {  	_ =	shalt  }
0x84: {  	_ =	shalt  }
0x85: {  	_ =	shalt  }
0x86: {  	_ =	shalt  }
0x87: {  	_ =	shalt  }
.Lfunc_end0:
.L_simem_size_0:
called_computation.1_lowered:
.L_overlay_start_0:
0x88: {  	s2 =	sld [smem:$0x3FD9]  }
0x89: {  	s3 =	sld [smem:$0x3FFE];
	_ =	sdelay $0x1  }
0x8a: {  	s1 =	srdreg.scid  }
0x8b: {  	s0 =	sand.u32 $0x1, s1  }
0x8c: {  	s16 =	sshll.u32 s0, $0xA;
	s2 =	sadd.s32 s3, s2  }
0x8d: {  	s2 =	sadd.s32 s2, s16  }
0x8e: {  	[smem:$0x3FBF] =	sst s2  }
0x8f: {  	_ = 	snop  }
0x90: {  	(tm) =	ssettm $0x1  }
0x91: {  	s17 =	sld [smem:$0x3FFB];
	_ =	sdelay $0x3  }
0x92: {  	_ =	strace s17  }
0x93: {  	s2 =	sld [smem:$0x3FFC];
	_ =	sdelay $0x3  }
0x94: {  	_ =	strace s2  }
0x95: {  	s2 =	sld [smem:$0x3FFD];
	_ =	sdelay $0x3  }
0x96: {  	_ =	strace s2  }
0x97: {  	_ =	strace $0x8FFFFFFF  }
0x98: {  	s18 =	sld [smem:$0x3FDB];
	_ =	sdelay $0x1  }
0x99: {  	s19 =	simm.s32 $_scs_section_size  }
0x9a: {  	s4 =	simm.s32 $_size__tile_overlayer_lowered;
	s5 =	simm.s32 $_tile_overlayer_lowered  }
0x9b: {  	s22 =	simm.s32 $0x1BFF;
	s21 =	sshll.u32 s5, $0x1;
	s2 =	sadd.s32 s19, s18  }
0x9c: {  	s6 =	simm.s32 $0x0;
	s20 =	sshll.u32 s4, $0x1;
	s4 =	sadd.s32 s21, s2  }
0x9d: {  	[timem:s6], [sflag:s22] =	dma.local [hbm:s4], s20  }
0x9e: {  	_ =	swait.ge [sflag:s22], s20  }
0x9f: {  	s3 =	ssub.s32 $0x0, s20;
	[sflag:s22] =	ssyncset.done $0x0  }
0xa0: {  	[sflag:s22] =	ssyncadd.s32 s3;
	_ =	sdelay $0x1  }
0xa1: {  	s23 =	simm.s32 $0x1B8B  }
0xa2: {  	_ =	swait.ge [sflag:s23], $0x1  }
0xa3: {  	[sflag:s23] =	ssyncset.done $0x0  }
0xa4: {  	s25 =	simm.s32 $0x1B8E;
	s24 =	sld [smem:$0x3FFE];
	[sflag:s23] =	ssyncadd.s32 $0xFFFFFFFF  }
0xa5: {  	s26 =	simm.s32 $execute0_lowered;
	[smem:$0x3FD2] =	sst s25  }
0xa6: {  	s4 =	sshll.u32 s26, $0x1;
	_ =	strace $0x80000049;
	[dreg:$0x1] =	wrdreg $0xFFFFFFFF  }
0xa7: {  	s28 =	simm.s32 $_size_execute0_lowered;
	s2 =	sadd.s32 s2, s4;
	[dreg:$0x0] =	wrdreg $0x0  }
0xa8: {  	s4 =	sshll.u32 s28, $0x1;
	[dreg:$0x2] =	wrdreg s2  }
0xa9: {  	[dreg:$0x3] =	wrdreg s4  }
0xaa: {  	[dreg:$0x4] =	wrdreg $0xC0  }
0xab: {  	_ =	task [dreg:s6], $0x5FFFF  }
0xac: {  	[dreg:$0x1] =	wrdreg $0xFFFFFFFF  }
0xad: {  	[dreg:$0x0] =	wrdreg $0x60  }
0xae: {  	[dreg:$0x2] =	wrdreg s24  }
0xaf: {  	[dreg:$0x3] =	wrdreg $0x68000  }
0xb0: {  	[dreg:$0x4] =	wrdreg $0x9  }
0xb1: {  	_ =	task.clear_ibuf [dreg:s6], $0x5FFFF;
	_ =	strace $0x90000049  }
0xb2: {  	s29 =	simm.s32 $0x9;
	_ =	strace $0x8000004B  }
0xb3: {  	_ =	swait.ge [sflag:s29], $0x1  }
0xb4: {  	[sflag:s29] =	ssyncadd.s32 $0xFFFFFFFF  }
0xb5: {  	_ =	strace $0x9000004B  }
0xb6: {  	_ =	sfence  }
0xb7: {  	s30 =	sld [smem:$0x0];
	_ =	sdelay $0x2  }
0xb8: {  	s31 =	sshll.u32 s1, $0xD;
	s1 =	sshrl.u32 s1, $0x2  }
0xb9: {  	s3 =	sand.u32 $0x4000, s31;
	s1 =	sadd.s32 s1, s30  }
0xba: {  	s0 =	sor.u32 s3, s0;
	s1 =	sshll.u32 s1, $0x11  }
0xbb: {  	s0 =	sor.u32 s1, s0  }
0xbc: {  	s0 =	sadd.s32 $0x8F2B, s0  }
0xbd: {  	[sflag:s0] =	ssyncadd.remote.s32 $0x1  }
0xbe: {  	_ =	sfence.sel $0xFFFF  }
0xbf: {  	[dreg:$0x0] =	wrdreg $0xFFFFFFFF;
	(pc) =	sbr.abs _section_cstart, $3  }
0xc0: {  	[dreg:$0x1] =	wrdreg $0xFFFFFFFF  }
0xc1: {  	_ =	task.clear_ibuf [dreg:s6], $0x2FFFF;
	_ =	strace $0x9FFFFFFF  }
0xc2: {  	(tm) =	ssettm $0x7FFFFFFF  }
0xc3: {  	_ =	shalt  }
tec
execute0_lowered:
.L_overlay_start_1:
0x0: {  	(tag) =	ssettag $0x1  }
0x1: {  	s7 =	rddreg [dreg:$0x0]  }
0x2: {  	s1 =	rddreg [dreg:$0x1]  }
0x3: {  	s2 =	srdreg.scid;
	s0 =	rddreg [dreg:$0x2];
	s3 =	simm.s32 $0x0  }
0x4: {  	s16 =	simm.s32 $0x2;
	s17 =	simm.s32 $0x1400;
	s9 =	sand.u32 $0x1, s2  }
0x5: {  	s18 =	simm.s32 $0x80;
	s2 =	stileid.u32;
	s5 =	smul.u32 $0x140000, s9  }
0x6: {  	s19 =	simm.s32 $0x1;
	s22 =	simm.s32 $0x0;
	s6 =	smul.u32 $0x14000, s2  }
0x7: {  	[smem:$0x7FF] =	sst s3;
	s4 =	sadd.s32 $0x16600, s7;
	s10 =	smul.u32 $0x50000, s2  }
0x8: {  	_ =	strace $0x8000004A;
	s29 =	ssub.s32 $0x2, s9;
	s14 =	smul.u32 $0xA00, s2  }
0x9: {  	s15 =	smul.u32 $0x500, s9;
	s20 =	sshll.u32 s2, $0x6;
	s31 =	sshrl.u32 s29, $0x1  }
0xa: {  	s20 =	sor.u32 $0x1C02, s20;
	s8 =	sadd.s32 s6, s5;
	s5 =	sadd.s32 $0x66600, s7  }
0xb: {  	s6 =	sadd.s32 $0xC600, s7;
	s30 =	sshrl.u32 s10, $0x2;
	s13 =	ssub.s32 s29, s31  }
0xc: {  	s14 =	sadd.s32 s15, s14;
	s15 =	simm.s32 $0x2800;
	s8 =	sshrl.u32 s8, $0x3  }
0xd: {  	s13 =	smax.u32 s13, $0x1;
	s12 =	sadd.s32 s8, s7;
	s7 =	sadd.s32 s30, s1  }
0xe: {  	s8 =	sadd.s32 $0x4000, s7;
	s9 =	sadd.s32 $0x8000, s7;
	s10 =	sadd.s32 $0xC000, s7  }
0xf: {  	v0 =	vimm.f32 $0.0e+00;
	s11 =	sadd.s32 $0x10000, s7;
	s12 =	sadd.s32 $0x70600, s12;
	s21 =	sshrl.u32 s7, $0x3  }
.LBB2_1:
0x10: {  	s23 =	simm.s32 $0x0;
	s24 =	simm.s32 $0x200  }
.LBB2_2:
0x11: {  	p0 =	sne.s32 s24, $0xFE00;
	[tilespmem:s23+$0x2870] =	vst v0  }
0x12: {  	[tilespmem:s23+$0x2800] =	vst v0  }
0x13: {  	[tilespmem:s23+$0x2810] =	vst v0  }
.Ltmp0:
0x14: {  	[tilespmem:s23+$0x2820] =	vst v0;
	(pc) =	sbr.rel @p0 .LBB2_2-.Ltmp0, $4  }
0x15: {  	[tilespmem:s23+$0x2830] =	vst v0  }
0x16: {  	[tilespmem:s23+$0x2840] =	vst v0  }
0x17: {  	[tilespmem:s23+$0x2850] =	vst v0  }
0x18: {  	[tilespmem:s23+$0x2860] =	vst v0;
	s23 =	sshra.s32 s24, $0x2;
	s24 =	sadd.s32 $0x200, s24  }
0x19: {  	[tilespmem:s23+$0x2870] =	vst v0  }
0x1a: {  	[tilespmem:s23+$0x2800] =	vst v0  }
0x1b: {  	[tilespmem:s23+$0x2810] =	vst v0  }
0x1c: {  	[tilespmem:s23+$0x2820] =	vst v0  }
0x1d: {  	[tilespmem:s23+$0x2830] =	vst v0  }
0x1e: {  	[tilespmem:s23+$0x2840] =	vst v0  }
0x1f: {  	[tilespmem:s23+$0x2850] =	vst v0  }
0x20: {  	[tilespmem:s23+$0x2860] =	vst v0  }
0x21: {  	[spmem:s7] =	stream.linear.scatter [tilespmem:s15], [sflag:$0x2], $0x4000, $0x38;
	[tilespmem:$0x1A800] =	vst v63  }
0x22: {  	_ =	swait.ge [sflag:s16], $0x4000  }
0x23: {  	[sflag:s16] =	ssyncset.done $0x0  }
0x24: {  	[sflag:s16] =	ssyncadd.s32 $0xFFFFC000  }
0x25: {  	[spmem:s8] =	stream.linear.scatter [tilespmem:s15], [sflag:$0x2], $0x4000, $0x38;
	[tilespmem:$0x1A800] =	vst v63  }
0x26: {  	_ =	swait.ge [sflag:s16], $0x4000  }
0x27: {  	[sflag:s16] =	ssyncset.done $0x0  }
0x28: {  	[sflag:s16] =	ssyncadd.s32 $0xFFFFC000  }
0x29: {  	[spmem:s9] =	stream.linear.scatter [tilespmem:s15], [sflag:$0x2], $0x4000, $0x38;
	[tilespmem:$0x1A800] =	vst v63  }
0x2a: {  	_ =	swait.ge [sflag:s16], $0x4000  }
0x2b: {  	[sflag:s16] =	ssyncset.done $0x0  }
0x2c: {  	[sflag:s16] =	ssyncadd.s32 $0xFFFFC000  }
0x2d: {  	[spmem:s10] =	stream.linear.scatter [tilespmem:s15], [sflag:$0x2], $0x4000, $0x38;
	[tilespmem:$0x1A800] =	vst v63  }
0x2e: {  	_ =	swait.ge [sflag:s16], $0x4000  }
0x2f: {  	[sflag:s16] =	ssyncset.done $0x0  }
0x30: {  	[sflag:s16] =	ssyncadd.s32 $0xFFFFC000  }
0x31: {  	[spmem:s11] =	stream.linear.scatter [tilespmem:s15], [sflag:$0x2], $0x4000, $0x38;
	[tilespmem:$0x1A800] =	vst v63  }
0x32: {  	s29 =	simm.s32 $0x0;
	s24 =	sadd.s32 $0x0, s14;
	_ =	swait.ge [sflag:s16], $0x4000  }
0x33: {  	s24 =	sand.u32 $0xFFFFF80, s24;
	s23 =	sand.u32 $0x70, s29;
	[sflag:s16] =	ssyncset.done $0x0  }
0x34: {  	s23 =	sor.u32 s23, s24;
	[sflag:s16] =	ssyncadd.s32 $0xFFFFC000  }
0x35: {  	s24 =	sadd.s32 s5, s23;
	[bflag:$0x0] =	sbarrier.arrive $0xFFFF  }
0x36: {  	[tilespmem:s3], [sflag:$0x2] =	stream.linear.gather [hbm4b:s24+s3], $0x80, $0x38;
	[tilespmem:$0x1A800] =	vst v63  }
0x37: {  	_ =	swait.ge [sflag:s16], $0x80  }
0x38: {  	[sflag:s16] =	ssyncset.done $0x0  }
0x39: {  	s23 =	sadd.s32 s6, s23;
	[sflag:s16] =	ssyncadd.s32 $0xFFFFFF80  }
0x3a: {  	[tilespmem:s17], [sflag:$0x2] =	stream.linear.gather [hbm4b:s23+s3], $0x80, $0x38;
	[tilespmem:$0x1A800] =	vst v63  }
0x3b: {  	_ =	swait.ge [sflag:s16], $0x80  }
0x3c: {  	[sflag:s16] =	ssyncset.done $0x0  }
0x3d: {  	[sflag:s16] =	ssyncadd.s32 $0xFFFFFF80  }
0x3e: {  	[tilespmem:s15], [sflag:$0x1] =	stream.indirect.gather [hbm4b:s4+s18], $0x80, s3, s18, $0xb8;
	[tilespmem:$0x1A800] =	vst v63  }
0x3f: {  	_ =	swait.ge [sflag:s19], $0x4000  }
0x40: {  	[sflag:s19] =	ssyncset.done $0x0  }
0x41: {  	s30 =	simm.s32 $0x10;
	s31 =	sadd.s32 $0x10, s14;
	[sflag:s19] =	ssyncadd.s32 $0xFFFFC000  }
0x42: {  	[spmem:s1] =	stream.indirect.scatter.add.f32 [tilespmem:s15], [sflag:$0x2], $0x80, s17, s18, $0xb8;
	[tilespmem:$0x1A800] =	vst v63  }
0x43: {  	s25 =	sand.u32 $0xFFFFF80, s31;
	s23 =	sand.u32 $0x70, s30;
	_ =	swait.ge [sflag:s16], $0x4000  }
0x44: {  	s24 =	simm.s32 $0x20;
	s23 =	sor.u32 s23, s25;
	[sflag:s16] =	ssyncset.done $0x0  }
.LBB2_4:
0x45: {  	s25 =	sadd.s32 s5, s23  }
0x46: {  	[sflag:s16] =	ssyncadd.s32 $0xFFFFC000;
	s26 =	smov.u32 s24;
	s28 =	sadd.s32 $0x10, s24  }
0x47: {  	[tilespmem:s3], [sflag:$0x2] =	stream.linear.gather [hbm4b:s25+s3], $0x80, $0x38;
	[tilespmem:$0x1A800] =	vst v63  }
0x48: {  	p0 =	sne.s32 s24, $0x4F0;
	_ =	swait.ge [sflag:s16], $0x80  }
0x49: {  	[sflag:s16] =	ssyncset.done $0x0  }
0x4a: {  	s23 =	sadd.s32 s6, s23;
	[sflag:s16] =	ssyncadd.s32 $0xFFFFFF80  }
0x4b: {  	[tilespmem:s17], [sflag:$0x2] =	stream.linear.gather [hbm4b:s23+s3], $0x80, $0x38;
	[tilespmem:$0x1A800] =	vst v63  }
0x4c: {  	_ =	swait.ge [sflag:s16], $0x80  }
0x4d: {  	[sflag:s16] =	ssyncset.done $0x0  }
0x4e: {  	[sflag:s16] =	ssyncadd.s32 $0xFFFFFF80  }
0x4f: {  	[tilespmem:s15], [sflag:$0x1] =	stream.indirect.gather [hbm4b:s4+s18], $0x80, s3, s18, $0xb8;
	[tilespmem:$0x1A800] =	vst v63  }
0x50: {  	_ =	swait.ge [sflag:s19], $0x4000  }
.Ltmp1:
0x51: {  	[sflag:s19] =	ssyncset.done $0x0;
	(pc) =	sbr.rel @p0 .LBB2_4-.Ltmp1, $4  }
0x52: {  	s23 =	sadd.s32 s26, s14;
	[sflag:s19] =	ssyncadd.s32 $0xFFFFC000  }
0x53: {  	[spmem:s1] =	stream.indirect.scatter.add.f32 [tilespmem:s15], [sflag:$0x2], $0x80, s17, s18, $0xb8;
	[tilespmem:$0x1A800] =	vst v63  }
0x54: {  	s24 =	sand.u32 $0x70, s26;
	s23 =	sand.u32 $0xFFFFF80, s23;
	_ =	swait.ge [sflag:s16], $0x4000  }
0x55: {  	s23 =	sor.u32 s24, s23;
	s24 =	smov.u32 s28;
	[sflag:s16] =	ssyncset.done $0x0  }
0x56: {  	s24 =	sadd.s32 s5, s23;
	[sflag:s16] =	ssyncadd.s32 $0xFFFFC000  }
0x57: {  	[tilespmem:s3], [sflag:$0x2] =	stream.linear.gather [hbm4b:s24+s3], $0x80, $0x38;
	[tilespmem:$0x1A800] =	vst v63  }
0x58: {  	_ =	swait.ge [sflag:s16], $0x80  }
0x59: {  	[sflag:s16] =	ssyncset.done $0x0  }
0x5a: {  	s31 =	sadd.s32 s6, s23;
	[sflag:s16] =	ssyncadd.s32 $0xFFFFFF80  }
0x5b: {  	[tilespmem:s17], [sflag:$0x2] =	stream.linear.gather [hbm4b:s31+s3], $0x80, $0x38;
	[tilespmem:$0x1A800] =	vst v63  }
0x5c: {  	_ =	swait.ge [sflag:s16], $0x80  }
0x5d: {  	[sflag:s16] =	ssyncset.done $0x0  }
0x5e: {  	[sflag:s16] =	ssyncadd.s32 $0xFFFFFF80  }
0x5f: {  	[tilespmem:s15], [sflag:$0x1] =	stream.indirect.gather [hbm4b:s4+s18], $0x80, s3, s18, $0xb8;
	[tilespmem:$0x1A800] =	vst v63  }
0x60: {  	_ =	swait.ge [sflag:s19], $0x4000  }
0x61: {  	[sflag:s19] =	ssyncset.done $0x0  }
0x62: {  	[sflag:s19] =	ssyncadd.s32 $0xFFFFC000  }
0x63: {  	[spmem:s1] =	stream.indirect.scatter.add.f32 [tilespmem:s15], [sflag:$0x2], $0x80, s17, s18, $0xb8;
	[tilespmem:$0x1A800] =	vst v63  }
0x64: {  	_ =	swait.ge [sflag:s16], $0x4000  }
0x65: {  	s22 =	sadd.s32 $0x1, s22;
	[sflag:s16] =	ssyncset.done $0x0  }
0x66: {  	p0 =	sne.s32 s22, s13;
	[sflag:s16] =	ssyncadd.s32 $0xFFFFC000  }
.Ltmp2:
0x67: {  	[bflag:$0x0] =	sbarrier.arrive $0xFFFF;
	(pc) =	sbr.rel @p0 .LBB2_1-.Ltmp2, $4  }
0x68: {  	[hbm:s12], [sflag:s20] =	dma.local [spmem:s21], $0x2800  }
0x69: {  	_ =	swait.ge [sflag:s16], $0x2800  }
0x6a: {  	[sflag:s16] =	ssyncset.done $0x0  }
0x6b: {  	[sflag:s16] =	ssyncadd.s32 $0xFFFFD800  }
0x6c: {  	_ =	sfence.sel $0x180000  }
0x6d: {  	[bflag:$0x0] =	sbarrier.arrive $0xFFFF  }
0x6e: {  	p0 =	sne.s32 s2, $0x0;
	_ =	strace $0x9000004A  }
0x6f: {  	s0 =	sadd.s32 @!p0 $0x100000, s0;
	[bflag:$0x2] =	sbarrier.arrive $0xFFFF  }
0x70: {  	[sflag:s0] =	ssyncadd.tile.s32 @!p0 $0x1;
	_ =	shalt  }
.Lfunc_end2:
_tile_overlayer_lowered:
.L_overlay_start_2:
0x71: {  	(tag) =	ssettag $0x2  }
0x72: {  	s0 =	rddreg [dreg:$0x0];
	s2 =	stileid.u32  }
0x73: {  	s1 =	rddreg [dreg:$0x1];
	p0 =	sne.s32 s2, $0x0  }
0x74: {  	s3 =	rddreg [dreg:$0x2];
	[bflag:$0x3] =	sbarrier.arrive $0xFFFF;
	s2 =	simm.s32 @!p0 $0x1C02  }
0x75: {  	[timem:s3], [sflag:s2] =	dma.local @!p0 [hbm:s0], s1  }
0x76: {  	s0 =	simm.s32 @!p0 $0x2  }
0x77: {  	_ =	swait.ge @!p0 [sflag:s0], s1  }
0x78: {  	s1 =	ssub.s32 @!p0 $0x0, s1;
	[sflag:s0] =	ssyncset.done @!p0 $0x0  }
0x79: {  	[sflag:s0] =	ssyncadd.s32 @!p0 s1  }
0x7a: {  	[bflag:$0x3] =	sbarrier.arrive $0xFFFF  }
0x7b: {  	_ =	shalt  }

// kernel: kernel.14.cloned.1.call-start
scs
__scs_entry_jumppad:
0x0: {  	(pc) =	sbr.rel $0x88, $3  }
0x1: {  	(tag) =	ssettag $0x0;
	lr =	simm.s32 $0x1  }
0x2: {  	[smem:$0x3F98] =	sst lr;
	_ =	strace $0xD0000000  }
0x3: {  	_ = 	snop  }
0x4: {  	_ = 	snop  }
0x5: {  	_ = 	snop  }
0x6: {  	_ = 	snop  }
0x7: {  	_ = 	snop  }
__scs_overlays_trampoline_lowered:
0x8: {  	[smem:$0x3FA7] =	sst s0  }
0x9: {  	[smem:$0x3FA8] =	sst s1  }
0xa: {  	[smem:$0x3FA9] =	sst s2  }
0xb: {  	[smem:$0x3FAA] =	sst s3  }
0xc: {  	[smem:$0x3FAB] =	sst s4  }
0xd: {  	[smem:$0x3FAC] =	sst s5  }
0xe: {  	[smem:$0x3FAD] =	sst s6  }
0xf: {  	[smem:$0x3FAE] =	sst s7  }
0x10: {  	[smem:$0x3FAF] =	sst s8  }
0x11: {  	[smem:$0x3FB0] =	sst s9;
	s0 =	simm.s32 @!p0 $0x0  }
0x12: {  	s1 =	sld [smem:$0x3F96];
	s0 =	simm.s32 @p0 $0x1  }
0x13: {  	[smem:$0x3FB1] =	sst s0;
	s0 =	simm.s32 @!p1 $0x0  }
0x14: {  	s2 =	sld [smem:$0x3F95];
	s0 =	simm.s32 @p1 $0x1  }
0x15: {  	[smem:$0x3FB2] =	sst s0;
	s0 =	simm.s32 @!p2 $0x0  }
0x16: {  	s3 =	sld [smem:$0x3FDB];
	s0 =	simm.s32 @p2 $0x1  }
0x17: {  	s4 =	simm.s32 $0x1BF5;
	[smem:$0x3FB4] =	sst s0  }
0x18: {  	s0 =	sld [smem:$0x3F97];
	_ =	swait.ge [sflag:s4], $0x0  }
0x19: {  	s7 =	sld [smem:$0x3F98]  }
0x1a: {  	s8 =	sadd.s32 $0xFFFFE003, lr  }
0x1b: {  	s9 =	sadd.s32 $0xFFFFFEF7, lr;
	s5 =	simm.s32 $0xFFFFFFFF;
	p2 =	slt.u32 s8, $0xFFFFF086  }
0x1c: {  	p1 =	slt.u32 s9, $0xF7A;
	s5 =	simm.s32 @!p2 $0x0  }
0x1d: {  	s5 =	simm.s32 @p1 $0x1;
	p0 =	seq.s32 s7, s2  }
0x1e: {  	s7 =	smul.u32 @!p0 $0xF7A, s2;
	p2 =	seq.s32 @!p0 s5, $0x0  }
0x1f: {  	s9 =	smul.u32 $0xF7A, s1;
	s8 =	simm.s32 @!p0 $0x1BF5;
	p2 =	por !p2, p0  }
0x20: {  	[sflag:s8] =	ssyncset.s32 @!p0 $0xFFFFF086;
	s6 =	sadd.s32 @!p0 s3, s7;
	s7 =	simm.s32 @!p0 $0x108  }
0x21: {  	s3 =	sadd.s32 s3, s9;
	s6 =	sadd.s32 @!p0 $0x88, s6;
	s7 =	simm.s32 @p2 $0x1082  }
0x22: {  	[simem:s7], [sflag:s8] =	dma.local @!p0 [hbm:s6], $0xF7A  }
0x23: {  	s9 =	sor.u32 $0xD0000000, s2;
	s6 =	simm.s32 $0x108;
	_ =	swait.ge @!p0 [sflag:s8], $0x0  }
0x24: {  	s3 =	sadd.s32 $0x88, s3;
	s6 =	simm.s32 @!p1 $0x1082;
	[sflag:s4] =	ssyncset.s32 $0xFFFFF086  }
0x25: {  	[simem:s6], [sflag:s4] =	dma.local [hbm:s3], $0xF7A  }
0x26: {  	[smem:$0x3F98] =	sst s1;
	(tag) =	ssettag s2;
	_ =	strace s9  }
0x27: {  	s1 =	sld [smem:$0x3FA8]  }
0x28: {  	s2 =	sld [smem:$0x3FA9]  }
0x29: {  	s4 =	sld [smem:$0x3FAB]  }
0x2a: {  	p0 =	seq.s32 s5, $0x0;
	s5 =	sld [smem:$0x3FAC]  }
0x2b: {  	s6 =	sld [smem:$0x3FAD]  }
0x2c: {  	s7 =	sld [smem:$0x3FAE]  }
0x2d: {  	s3 =	simm.s32 $0x108;
	s8 =	sld [smem:$0x3FAF]  }
0x2e: {  	s3 =	simm.s32 @!p0 $0x1082;
	s9 =	sld [smem:$0x3FB0]  }
0x2f: {  	lr =	sadd.s32 s0, s3;
	s0 =	sld [smem:$0x3FA7]  }
0x30: {  	s3 =	sld [smem:$0x3FAA]  }
0x31: {  	[smem:$0x3FB3] =	sst s10  }
0x32: {  	s10 =	sld [smem:$0x3FB1];
	_ =	sdelay $0x3  }
0x33: {  	p0 =	seq.s32 s10, $0x1;
	s10 =	sld [smem:$0x3FB3];
	_ =	sdelay $0x3  }
0x34: {  	[smem:$0x3FB3] =	sst s10  }
0x35: {  	s10 =	sld [smem:$0x3FB2];
	_ =	sdelay $0x3  }
0x36: {  	p1 =	seq.s32 s10, $0x1;
	s10 =	sld [smem:$0x3FB3];
	_ =	sdelay $0x3  }
0x37: {  	[smem:$0x3FB3] =	sst s10  }
0x38: {  	s10 =	sld [smem:$0x3FB4]  }
0x39: {  	_ = 	snop;
	(pc) =	sbr.ind lr, $3  }
0x3a: {  	_ = 	snop  }
0x3b: {  	_ = 	snop  }
0x3c: {  	p2 =	seq.s32 s10, $0x1;
	s10 =	sld [smem:$0x3FB3]  }
0x3d: {  	_ =	shalt  }
0x3e: {  	_ =	shalt  }
0x3f: {  	_ =	shalt  }
0x40: {  	_ =	shalt  }
0x41: {  	_ =	shalt  }
0x42: {  	_ =	shalt  }
0x43: {  	_ =	shalt  }
0x44: {  	_ =	shalt  }
0x45: {  	_ =	shalt  }
0x46: {  	_ =	shalt  }
0x47: {  	_ =	shalt  }
0x48: {  	_ =	shalt  }
0x49: {  	_ =	shalt  }
0x4a: {  	_ =	shalt  }
0x4b: {  	_ =	shalt  }
0x4c: {  	_ =	shalt  }
0x4d: {  	_ =	shalt  }
0x4e: {  	_ =	shalt  }
0x4f: {  	_ =	shalt  }
0x50: {  	_ =	shalt  }
0x51: {  	_ =	shalt  }
0x52: {  	_ =	shalt  }
0x53: {  	_ =	shalt  }
0x54: {  	_ =	shalt  }
0x55: {  	_ =	shalt  }
0x56: {  	_ =	shalt  }
0x57: {  	_ =	shalt  }
0x58: {  	_ =	shalt  }
0x59: {  	_ =	shalt  }
0x5a: {  	_ =	shalt  }
0x5b: {  	_ =	shalt  }
0x5c: {  	_ =	shalt  }
0x5d: {  	_ =	shalt  }
0x5e: {  	_ =	shalt  }
0x5f: {  	_ =	shalt  }
0x60: {  	_ =	shalt  }
0x61: {  	_ =	shalt  }
0x62: {  	_ =	shalt  }
0x63: {  	_ =	shalt  }
0x64: {  	_ =	shalt  }
0x65: {  	_ =	shalt  }
0x66: {  	_ =	shalt  }
0x67: {  	_ =	shalt  }
0x68: {  	_ =	shalt  }
0x69: {  	_ =	shalt  }
0x6a: {  	_ =	shalt  }
0x6b: {  	_ =	shalt  }
0x6c: {  	_ =	shalt  }
0x6d: {  	_ =	shalt  }
0x6e: {  	_ =	shalt  }
0x6f: {  	_ =	shalt  }
0x70: {  	_ =	shalt  }
0x71: {  	_ =	shalt  }
0x72: {  	_ =	shalt  }
0x73: {  	_ =	shalt  }
0x74: {  	_ =	shalt  }
0x75: {  	_ =	shalt  }
0x76: {  	_ =	shalt  }
0x77: {  	_ =	shalt  }
0x78: {  	_ =	shalt  }
0x79: {  	_ =	shalt  }
0x7a: {  	_ =	shalt  }
0x7b: {  	_ =	shalt  }
0x7c: {  	_ =	shalt  }
0x7d: {  	_ =	shalt  }
0x7e: {  	_ =	shalt  }
0x7f: {  	_ =	shalt  }
0x80: {  	_ =	shalt  }
0x81: {  	_ =	shalt  }
0x82: {  	_ =	shalt  }
0x83: {  	_ =	shalt  }
0x84: {  	_ =	shalt  }
0x85: {  	_ =	shalt  }
0x86: {  	_ =	shalt  }
0x87: {  	_ =	shalt  }
.Lfunc_end0:
.L_simem_size_0:
called_computation.2_lowered:
.L_overlay_start_0:
0x88: {  	s2 =	sld [smem:$0x3FD9]  }
0x89: {  	s3 =	sld [smem:$0x3FFE];
	_ =	sdelay $0x1  }
0x8a: {  	s1 =	srdreg.scid  }
0x8b: {  	s0 =	sand.u32 $0x1, s1  }
0x8c: {  	s16 =	sshll.u32 s0, $0xA;
	s2 =	sadd.s32 s3, s2  }
0x8d: {  	s2 =	sadd.s32 s2, s16  }
0x8e: {  	[smem:$0x3FBF] =	sst s2  }
0x8f: {  	_ = 	snop  }
0x90: {  	(tm) =	ssettm $0x1  }
0x91: {  	s17 =	sld [smem:$0x3FFB];
	_ =	sdelay $0x3  }
0x92: {  	_ =	strace s17  }
0x93: {  	s2 =	sld [smem:$0x3FFC];
	_ =	sdelay $0x3  }
0x94: {  	_ =	strace s2  }
0x95: {  	s2 =	sld [smem:$0x3FFD];
	_ =	sdelay $0x3  }
0x96: {  	_ =	strace s2  }
0x97: {  	_ =	strace $0x8FFFFFFF  }
0x98: {  	s18 =	sld [smem:$0x3FDB];
	_ =	sdelay $0x1  }
0x99: {  	s19 =	simm.s32 $_scs_section_size  }
0x9a: {  	s4 =	simm.s32 $_size__tile_overlayer_lowered;
	s5 =	simm.s32 $_tile_overlayer_lowered  }
0x9b: {  	s22 =	simm.s32 $0x1BFF;
	s21 =	sshll.u32 s5, $0x1;
	s2 =	sadd.s32 s19, s18  }
0x9c: {  	s6 =	simm.s32 $0x0;
	s20 =	sshll.u32 s4, $0x1;
	s4 =	sadd.s32 s21, s2  }
0x9d: {  	[timem:s6], [sflag:s22] =	dma.local [hbm:s4], s20  }
0x9e: {  	_ =	swait.ge [sflag:s22], s20  }
0x9f: {  	s3 =	ssub.s32 $0x0, s20;
	[sflag:s22] =	ssyncset.done $0x0  }
0xa0: {  	[sflag:s22] =	ssyncadd.s32 s3;
	_ =	sdelay $0x1  }
0xa1: {  	s23 =	simm.s32 $0x1B8B  }
0xa2: {  	_ =	swait.ge [sflag:s23], $0x1  }
0xa3: {  	[sflag:s23] =	ssyncset.done $0x0  }
0xa4: {  	s25 =	simm.s32 $0x1B8E;
	s24 =	sld [smem:$0x3FFE];
	[sflag:s23] =	ssyncadd.s32 $0xFFFFFFFF  }
0xa5: {  	s26 =	simm.s32 $execute0_lowered;
	[smem:$0x3FD2] =	sst s25  }
0xa6: {  	s4 =	sshll.u32 s26, $0x1;
	_ =	strace $0x8000004C;
	[dreg:$0x1] =	wrdreg $0xFFFFFFFF  }
0xa7: {  	s28 =	simm.s32 $_size_execute0_lowered;
	s2 =	sadd.s32 s2, s4;
	[dreg:$0x0] =	wrdreg $0x0  }
0xa8: {  	s4 =	sshll.u32 s28, $0x1;
	[dreg:$0x2] =	wrdreg s2  }
0xa9: {  	[dreg:$0x3] =	wrdreg s4  }
0xaa: {  	[dreg:$0x4] =	wrdreg $0xC0  }
0xab: {  	_ =	task [dreg:s6], $0x5FFFF  }
0xac: {  	[dreg:$0x1] =	wrdreg $0xFFFFFFFF  }
0xad: {  	[dreg:$0x0] =	wrdreg $0x60  }
0xae: {  	[dreg:$0x2] =	wrdreg s24  }
0xaf: {  	[dreg:$0x3] =	wrdreg $0x68000  }
0xb0: {  	[dreg:$0x4] =	wrdreg $0x9  }
0xb1: {  	_ =	task.clear_ibuf [dreg:s6], $0x5FFFF;
	_ =	strace $0x9000004C  }
0xb2: {  	s29 =	simm.s32 $0x9;
	_ =	strace $0x8000004E  }
0xb3: {  	_ =	swait.ge [sflag:s29], $0x1  }
0xb4: {  	[sflag:s29] =	ssyncadd.s32 $0xFFFFFFFF  }
0xb5: {  	_ =	strace $0x9000004E  }
0xb6: {  	_ =	sfence  }
0xb7: {  	s30 =	sld [smem:$0x0];
	_ =	sdelay $0x2  }
0xb8: {  	s31 =	sshll.u32 s1, $0xD;
	s1 =	sshrl.u32 s1, $0x2  }
0xb9: {  	s3 =	sand.u32 $0x4000, s31;
	s1 =	sadd.s32 s1, s30  }
0xba: {  	s0 =	sor.u32 s3, s0;
	s1 =	sshll.u32 s1, $0x11  }
0xbb: {  	s0 =	sor.u32 s1, s0  }
0xbc: {  	s0 =	sadd.s32 $0x8F2B, s0  }
0xbd: {  	[sflag:s0] =	ssyncadd.remote.s32 $0x1  }
0xbe: {  	_ =	sfence.sel $0xFFFF  }
0xbf: {  	[dreg:$0x0] =	wrdreg $0xFFFFFFFF;
	(pc) =	sbr.abs _section_cstart, $3  }
0xc0: {  	[dreg:$0x1] =	wrdreg $0xFFFFFFFF  }
0xc1: {  	_ =	task.clear_ibuf [dreg:s6], $0x2FFFF;
	_ =	strace $0x9FFFFFFF  }
0xc2: {  	(tm) =	ssettm $0x7FFFFFFF  }
0xc3: {  	_ =	shalt  }
tec
execute0_lowered:
.L_overlay_start_1:
0x0: {  	(tag) =	ssettag $0x1  }
0x1: {  	s7 =	rddreg [dreg:$0x0]  }
0x2: {  	s1 =	rddreg [dreg:$0x1]  }
0x3: {  	s2 =	srdreg.scid;
	s0 =	rddreg [dreg:$0x2];
	s3 =	simm.s32 $0x0  }
0x4: {  	s16 =	simm.s32 $0x2;
	s17 =	simm.s32 $0x1400;
	s9 =	sand.u32 $0x1, s2  }
0x5: {  	s18 =	simm.s32 $0x80;
	s2 =	stileid.u32;
	s5 =	smul.u32 $0x140000, s9  }
0x6: {  	s19 =	simm.s32 $0x1;
	s22 =	simm.s32 $0x0;
	s6 =	smul.u32 $0x14000, s2  }
0x7: {  	[smem:$0x7FF] =	sst s3;
	s4 =	sadd.s32 $0x16600, s7;
	s10 =	smul.u32 $0x50000, s2  }
0x8: {  	_ =	strace $0x8000004D;
	s29 =	ssub.s32 $0x2, s9;
	s14 =	smul.u32 $0xA00, s2  }
0x9: {  	s15 =	smul.u32 $0x500, s9;
	s20 =	sshll.u32 s2, $0x6;
	s31 =	sshrl.u32 s29, $0x1  }
0xa: {  	s20 =	sor.u32 $0x1C02, s20;
	s8 =	sadd.s32 s6, s5;
	s5 =	sadd.s32 $0x66600, s7  }
0xb: {  	s6 =	sadd.s32 $0xC600, s7;
	s30 =	sshrl.u32 s10, $0x2;
	s13 =	ssub.s32 s29, s31  }
0xc: {  	s14 =	sadd.s32 s15, s14;
	s15 =	simm.s32 $0x2800;
	s8 =	sshrl.u32 s8, $0x3  }
0xd: {  	s13 =	smax.u32 s13, $0x1;
	s12 =	sadd.s32 s8, s7;
	s7 =	sadd.s32 s30, s1  }
0xe: {  	s8 =	sadd.s32 $0x4000, s7;
	s9 =	sadd.s32 $0x8000, s7;
	s10 =	sadd.s32 $0xC000, s7  }
0xf: {  	v0 =	vimm.f32 $0.0e+00;
	s11 =	sadd.s32 $0x10000, s7;
	s12 =	sadd.s32 $0x70600, s12;
	s21 =	sshrl.u32 s7, $0x3  }
.LBB2_1:
0x10: {  	s23 =	simm.s32 $0x0;
	s24 =	simm.s32 $0x200  }
.LBB2_2:
0x11: {  	p0 =	sne.s32 s24, $0xFE00;
	[tilespmem:s23+$0x2870] =	vst v0  }
0x12: {  	[tilespmem:s23+$0x2800] =	vst v0  }
0x13: {  	[tilespmem:s23+$0x2810] =	vst v0  }
.Ltmp0:
0x14: {  	[tilespmem:s23+$0x2820] =	vst v0;
	(pc) =	sbr.rel @p0 .LBB2_2-.Ltmp0, $4  }
0x15: {  	[tilespmem:s23+$0x2830] =	vst v0  }
0x16: {  	[tilespmem:s23+$0x2840] =	vst v0  }
0x17: {  	[tilespmem:s23+$0x2850] =	vst v0  }
0x18: {  	[tilespmem:s23+$0x2860] =	vst v0;
	s23 =	sshra.s32 s24, $0x2;
	s24 =	sadd.s32 $0x200, s24  }
0x19: {  	[tilespmem:s23+$0x2870] =	vst v0  }
0x1a: {  	[tilespmem:s23+$0x2800] =	vst v0  }
0x1b: {  	[tilespmem:s23+$0x2810] =	vst v0  }
0x1c: {  	[tilespmem:s23+$0x2820] =	vst v0  }
0x1d: {  	[tilespmem:s23+$0x2830] =	vst v0  }
0x1e: {  	[tilespmem:s23+$0x2840] =	vst v0  }
0x1f: {  	[tilespmem:s23+$0x2850] =	vst v0  }
0x20: {  	[tilespmem:s23+$0x2860] =	vst v0  }
0x21: {  	[spmem:s7] =	stream.linear.scatter [tilespmem:s15], [sflag:$0x2], $0x4000, $0x38;
	[tilespmem:$0x1A800] =	vst v63  }
0x22: {  	_ =	swait.ge [sflag:s16], $0x4000  }
0x23: {  	[sflag:s16] =	ssyncset.done $0x0  }
0x24: {  	[sflag:s16] =	ssyncadd.s32 $0xFFFFC000  }
0x25: {  	[spmem:s8] =	stream.linear.scatter [tilespmem:s15], [sflag:$0x2], $0x4000, $0x38;
	[tilespmem:$0x1A800] =	vst v63  }
0x26: {  	_ =	swait.ge [sflag:s16], $0x4000  }
0x27: {  	[sflag:s16] =	ssyncset.done $0x0  }
0x28: {  	[sflag:s16] =	ssyncadd.s32 $0xFFFFC000  }
0x29: {  	[spmem:s9] =	stream.linear.scatter [tilespmem:s15], [sflag:$0x2], $0x4000, $0x38;
	[tilespmem:$0x1A800] =	vst v63  }
0x2a: {  	_ =	swait.ge [sflag:s16], $0x4000  }
0x2b: {  	[sflag:s16] =	ssyncset.done $0x0  }
0x2c: {  	[sflag:s16] =	ssyncadd.s32 $0xFFFFC000  }
0x2d: {  	[spmem:s10] =	stream.linear.scatter [tilespmem:s15], [sflag:$0x2], $0x4000, $0x38;
	[tilespmem:$0x1A800] =	vst v63  }
0x2e: {  	_ =	swait.ge [sflag:s16], $0x4000  }
0x2f: {  	[sflag:s16] =	ssyncset.done $0x0  }
0x30: {  	[sflag:s16] =	ssyncadd.s32 $0xFFFFC000  }
0x31: {  	[spmem:s11] =	stream.linear.scatter [tilespmem:s15], [sflag:$0x2], $0x4000, $0x38;
	[tilespmem:$0x1A800] =	vst v63  }
0x32: {  	s29 =	simm.s32 $0x0;
	s24 =	sadd.s32 $0x0, s14;
	_ =	swait.ge [sflag:s16], $0x4000  }
0x33: {  	s24 =	sand.u32 $0xFFFFF80, s24;
	s23 =	sand.u32 $0x70, s29;
	[sflag:s16] =	ssyncset.done $0x0  }
0x34: {  	s23 =	sor.u32 s23, s24;
	[sflag:s16] =	ssyncadd.s32 $0xFFFFC000  }
0x35: {  	s24 =	sadd.s32 s5, s23;
	[bflag:$0x0] =	sbarrier.arrive $0xFFFF  }
0x36: {  	[tilespmem:s3], [sflag:$0x2] =	stream.linear.gather [hbm4b:s24+s3], $0x80, $0x38;
	[tilespmem:$0x1A800] =	vst v63  }
0x37: {  	_ =	swait.ge [sflag:s16], $0x80  }
0x38: {  	[sflag:s16] =	ssyncset.done $0x0  }
0x39: {  	s23 =	sadd.s32 s6, s23;
	[sflag:s16] =	ssyncadd.s32 $0xFFFFFF80  }
0x3a: {  	[tilespmem:s17], [sflag:$0x2] =	stream.linear.gather [hbm4b:s23+s3], $0x80, $0x38;
	[tilespmem:$0x1A800] =	vst v63  }
0x3b: {  	_ =	swait.ge [sflag:s16], $0x80  }
0x3c: {  	[sflag:s16] =	ssyncset.done $0x0  }
0x3d: {  	[sflag:s16] =	ssyncadd.s32 $0xFFFFFF80  }
0x3e: {  	[tilespmem:s15], [sflag:$0x1] =	stream.indirect.gather [hbm4b:s4+s18], $0x80, s3, s18, $0xb8;
	[tilespmem:$0x1A800] =	vst v63  }
0x3f: {  	_ =	swait.ge [sflag:s19], $0x4000  }
0x40: {  	[sflag:s19] =	ssyncset.done $0x0  }
0x41: {  	s30 =	simm.s32 $0x10;
	s31 =	sadd.s32 $0x10, s14;
	[sflag:s19] =	ssyncadd.s32 $0xFFFFC000  }
0x42: {  	[spmem:s1] =	stream.indirect.scatter.add.f32 [tilespmem:s15], [sflag:$0x2], $0x80, s17, s18, $0xb8;
	[tilespmem:$0x1A800] =	vst v63  }
0x43: {  	s25 =	sand.u32 $0xFFFFF80, s31;
	s23 =	sand.u32 $0x70, s30;
	_ =	swait.ge [sflag:s16], $0x4000  }
0x44: {  	s24 =	simm.s32 $0x20;
	s23 =	sor.u32 s23, s25;
	[sflag:s16] =	ssyncset.done $0x0  }
.LBB2_4:
0x45: {  	s25 =	sadd.s32 s5, s23  }
0x46: {  	[sflag:s16] =	ssyncadd.s32 $0xFFFFC000;
	s26 =	smov.u32 s24;
	s28 =	sadd.s32 $0x10, s24  }
0x47: {  	[tilespmem:s3], [sflag:$0x2] =	stream.linear.gather [hbm4b:s25+s3], $0x80, $0x38;
	[tilespmem:$0x1A800] =	vst v63  }
0x48: {  	p0 =	sne.s32 s24, $0x4F0;
	_ =	swait.ge [sflag:s16], $0x80  }
0x49: {  	[sflag:s16] =	ssyncset.done $0x0  }
0x4a: {  	s23 =	sadd.s32 s6, s23;
	[sflag:s16] =	ssyncadd.s32 $0xFFFFFF80  }
0x4b: {  	[tilespmem:s17], [sflag:$0x2] =	stream.linear.gather [hbm4b:s23+s3], $0x80, $0x38;
	[tilespmem:$0x1A800] =	vst v63  }
0x4c: {  	_ =	swait.ge [sflag:s16], $0x80  }
0x4d: {  	[sflag:s16] =	ssyncset.done $0x0  }
0x4e: {  	[sflag:s16] =	ssyncadd.s32 $0xFFFFFF80  }
0x4f: {  	[tilespmem:s15], [sflag:$0x1] =	stream.indirect.gather [hbm4b:s4+s18], $0x80, s3, s18, $0xb8;
	[tilespmem:$0x1A800] =	vst v63  }
0x50: {  	_ =	swait.ge [sflag:s19], $0x4000  }
.Ltmp1:
0x51: {  	[sflag:s19] =	ssyncset.done $0x0;
	(pc) =	sbr.rel @p0 .LBB2_4-.Ltmp1, $4  }
0x52: {  	s23 =	sadd.s32 s26, s14;
	[sflag:s19] =	ssyncadd.s32 $0xFFFFC000  }
0x53: {  	[spmem:s1] =	stream.indirect.scatter.add.f32 [tilespmem:s15], [sflag:$0x2], $0x80, s17, s18, $0xb8;
	[tilespmem:$0x1A800] =	vst v63  }
0x54: {  	s24 =	sand.u32 $0x70, s26;
	s23 =	sand.u32 $0xFFFFF80, s23;
	_ =	swait.ge [sflag:s16], $0x4000  }
0x55: {  	s23 =	sor.u32 s24, s23;
	s24 =	smov.u32 s28;
	[sflag:s16] =	ssyncset.done $0x0  }
0x56: {  	s24 =	sadd.s32 s5, s23;
	[sflag:s16] =	ssyncadd.s32 $0xFFFFC000  }
0x57: {  	[tilespmem:s3], [sflag:$0x2] =	stream.linear.gather [hbm4b:s24+s3], $0x80, $0x38;
	[tilespmem:$0x1A800] =	vst v63  }
0x58: {  	_ =	swait.ge [sflag:s16], $0x80  }
0x59: {  	[sflag:s16] =	ssyncset.done $0x0  }
0x5a: {  	s31 =	sadd.s32 s6, s23;
	[sflag:s16] =	ssyncadd.s32 $0xFFFFFF80  }
0x5b: {  	[tilespmem:s17], [sflag:$0x2] =	stream.linear.gather [hbm4b:s31+s3], $0x80, $0x38;
	[tilespmem:$0x1A800] =	vst v63  }
0x5c: {  	_ =	swait.ge [sflag:s16], $0x80  }
0x5d: {  	[sflag:s16] =	ssyncset.done $0x0  }
0x5e: {  	[sflag:s16] =	ssyncadd.s32 $0xFFFFFF80  }
0x5f: {  	[tilespmem:s15], [sflag:$0x1] =	stream.indirect.gather [hbm4b:s4+s18], $0x80, s3, s18, $0xb8;
	[tilespmem:$0x1A800] =	vst v63  }
0x60: {  	_ =	swait.ge [sflag:s19], $0x4000  }
0x61: {  	[sflag:s19] =	ssyncset.done $0x0  }
0x62: {  	[sflag:s19] =	ssyncadd.s32 $0xFFFFC000  }
0x63: {  	[spmem:s1] =	stream.indirect.scatter.add.f32 [tilespmem:s15], [sflag:$0x2], $0x80, s17, s18, $0xb8;
	[tilespmem:$0x1A800] =	vst v63  }
0x64: {  	_ =	swait.ge [sflag:s16], $0x4000  }
0x65: {  	s22 =	sadd.s32 $0x1, s22;
	[sflag:s16] =	ssyncset.done $0x0  }
0x66: {  	p0 =	sne.s32 s22, s13;
	[sflag:s16] =	ssyncadd.s32 $0xFFFFC000  }
.Ltmp2:
0x67: {  	[bflag:$0x0] =	sbarrier.arrive $0xFFFF;
	(pc) =	sbr.rel @p0 .LBB2_1-.Ltmp2, $4  }
0x68: {  	[hbm:s12], [sflag:s20] =	dma.local [spmem:s21], $0x2800  }
0x69: {  	_ =	swait.ge [sflag:s16], $0x2800  }
0x6a: {  	[sflag:s16] =	ssyncset.done $0x0  }
0x6b: {  	[sflag:s16] =	ssyncadd.s32 $0xFFFFD800  }
0x6c: {  	_ =	sfence.sel $0x180000  }
0x6d: {  	[bflag:$0x0] =	sbarrier.arrive $0xFFFF  }
0x6e: {  	p0 =	sne.s32 s2, $0x0;
	_ =	strace $0x9000004D  }
0x6f: {  	s0 =	sadd.s32 @!p0 $0x100000, s0;
	[bflag:$0x2] =	sbarrier.arrive $0xFFFF  }
0x70: {  	[sflag:s0] =	ssyncadd.tile.s32 @!p0 $0x1;
	_ =	shalt  }
.Lfunc_end2:
_tile_overlayer_lowered:
.L_overlay_start_2:
0x71: {  	(tag) =	ssettag $0x2  }
0x72: {  	s0 =	rddreg [dreg:$0x0];
	s2 =	stileid.u32  }
0x73: {  	s1 =	rddreg [dreg:$0x1];
	p0 =	sne.s32 s2, $0x0  }
0x74: {  	s3 =	rddreg [dreg:$0x2];
	[bflag:$0x3] =	sbarrier.arrive $0xFFFF;
	s2 =	simm.s32 @!p0 $0x1C02  }
0x75: {  	[timem:s3], [sflag:s2] =	dma.local @!p0 [hbm:s0], s1  }
0x76: {  	s0 =	simm.s32 @!p0 $0x2  }
0x77: {  	_ =	swait.ge @!p0 [sflag:s0], s1  }
0x78: {  	s1 =	ssub.s32 @!p0 $0x0, s1;
	[sflag:s0] =	ssyncset.done @!p0 $0x0  }
0x79: {  	[sflag:s0] =	ssyncadd.s32 @!p0 s1  }
0x7a: {  	[bflag:$0x3] =	sbarrier.arrive $0xFFFF  }
0x7b: {  	_ =	shalt  }

// kernel: kernel.8.cloned.1.call-start
scs
__scs_entry_jumppad:
0x0: {  	(pc) =	sbr.rel $0x88, $3  }
0x1: {  	(tag) =	ssettag $0x0;
	lr =	simm.s32 $0x1  }
0x2: {  	[smem:$0x3F98] =	sst lr;
	_ =	strace $0xD0000000  }
0x3: {  	_ = 	snop  }
0x4: {  	_ = 	snop  }
0x5: {  	_ = 	snop  }
0x6: {  	_ = 	snop  }
0x7: {  	_ = 	snop  }
__scs_overlays_trampoline_lowered:
0x8: {  	[smem:$0x3FA7] =	sst s0  }
0x9: {  	[smem:$0x3FA8] =	sst s1  }
0xa: {  	[smem:$0x3FA9] =	sst s2  }
0xb: {  	[smem:$0x3FAA] =	sst s3  }
0xc: {  	[smem:$0x3FAB] =	sst s4  }
0xd: {  	[smem:$0x3FAC] =	sst s5  }
0xe: {  	[smem:$0x3FAD] =	sst s6  }
0xf: {  	[smem:$0x3FAE] =	sst s7  }
0x10: {  	[smem:$0x3FAF] =	sst s8  }
0x11: {  	[smem:$0x3FB0] =	sst s9;
	s0 =	simm.s32 @!p0 $0x0  }
0x12: {  	s1 =	sld [smem:$0x3F96];
	s0 =	simm.s32 @p0 $0x1  }
0x13: {  	[smem:$0x3FB1] =	sst s0;
	s0 =	simm.s32 @!p1 $0x0  }
0x14: {  	s2 =	sld [smem:$0x3F95];
	s0 =	simm.s32 @p1 $0x1  }
0x15: {  	[smem:$0x3FB2] =	sst s0;
	s0 =	simm.s32 @!p2 $0x0  }
0x16: {  	s3 =	sld [smem:$0x3FDB];
	s0 =	simm.s32 @p2 $0x1  }
0x17: {  	s4 =	simm.s32 $0x1BF5;
	[smem:$0x3FB4] =	sst s0  }
0x18: {  	s0 =	sld [smem:$0x3F97];
	_ =	swait.ge [sflag:s4], $0x0  }
0x19: {  	s7 =	sld [smem:$0x3F98]  }
0x1a: {  	s8 =	sadd.s32 $0xFFFFE003, lr  }
0x1b: {  	s9 =	sadd.s32 $0xFFFFFEF7, lr;
	s5 =	simm.s32 $0xFFFFFFFF;
	p2 =	slt.u32 s8, $0xFFFFF086  }
0x1c: {  	p1 =	slt.u32 s9, $0xF7A;
	s5 =	simm.s32 @!p2 $0x0  }
0x1d: {  	s5 =	simm.s32 @p1 $0x1;
	p0 =	seq.s32 s7, s2  }
0x1e: {  	s7 =	smul.u32 @!p0 $0xF7A, s2;
	p2 =	seq.s32 @!p0 s5, $0x0  }
0x1f: {  	s9 =	smul.u32 $0xF7A, s1;
	s8 =	simm.s32 @!p0 $0x1BF5;
	p2 =	por !p2, p0  }
0x20: {  	[sflag:s8] =	ssyncset.s32 @!p0 $0xFFFFF086;
	s6 =	sadd.s32 @!p0 s3, s7;
	s7 =	simm.s32 @!p0 $0x108  }
0x21: {  	s3 =	sadd.s32 s3, s9;
	s6 =	sadd.s32 @!p0 $0x88, s6;
	s7 =	simm.s32 @p2 $0x1082  }
0x22: {  	[simem:s7], [sflag:s8] =	dma.local @!p0 [hbm:s6], $0xF7A  }
0x23: {  	s9 =	sor.u32 $0xD0000000, s2;
	s6 =	simm.s32 $0x108;
	_ =	swait.ge @!p0 [sflag:s8], $0x0  }
0x24: {  	s3 =	sadd.s32 $0x88, s3;
	s6 =	simm.s32 @!p1 $0x1082;
	[sflag:s4] =	ssyncset.s32 $0xFFFFF086  }
0x25: {  	[simem:s6], [sflag:s4] =	dma.local [hbm:s3], $0xF7A  }
0x26: {  	[smem:$0x3F98] =	sst s1;
	(tag) =	ssettag s2;
	_ =	strace s9  }
0x27: {  	s1 =	sld [smem:$0x3FA8]  }
0x28: {  	s2 =	sld [smem:$0x3FA9]  }
0x29: {  	s4 =	sld [smem:$0x3FAB]  }
0x2a: {  	p0 =	seq.s32 s5, $0x0;
	s5 =	sld [smem:$0x3FAC]  }
0x2b: {  	s6 =	sld [smem:$0x3FAD]  }
0x2c: {  	s7 =	sld [smem:$0x3FAE]  }
0x2d: {  	s3 =	simm.s32 $0x108;
	s8 =	sld [smem:$0x3FAF]  }
0x2e: {  	s3 =	simm.s32 @!p0 $0x1082;
	s9 =	sld [smem:$0x3FB0]  }
0x2f: {  	lr =	sadd.s32 s0, s3;
	s0 =	sld [smem:$0x3FA7]  }
0x30: {  	s3 =	sld [smem:$0x3FAA]  }
0x31: {  	[smem:$0x3FB3] =	sst s10  }
0x32: {  	s10 =	sld [smem:$0x3FB1];
	_ =	sdelay $0x3  }
0x33: {  	p0 =	seq.s32 s10, $0x1;
	s10 =	sld [smem:$0x3FB3];
	_ =	sdelay $0x3  }
0x34: {  	[smem:$0x3FB3] =	sst s10  }
0x35: {  	s10 =	sld [smem:$0x3FB2];
	_ =	sdelay $0x3  }
0x36: {  	p1 =	seq.s32 s10, $0x1;
	s10 =	sld [smem:$0x3FB3];
	_ =	sdelay $0x3  }
0x37: {  	[smem:$0x3FB3] =	sst s10  }
0x38: {  	s10 =	sld [smem:$0x3FB4]  }
0x39: {  	_ = 	snop;
	(pc) =	sbr.ind lr, $3  }
0x3a: {  	_ = 	snop  }
0x3b: {  	_ = 	snop  }
0x3c: {  	p2 =	seq.s32 s10, $0x1;
	s10 =	sld [smem:$0x3FB3]  }
0x3d: {  	_ =	shalt  }
0x3e: {  	_ =	shalt  }
0x3f: {  	_ =	shalt  }
0x40: {  	_ =	shalt  }
0x41: {  	_ =	shalt  }
0x42: {  	_ =	shalt  }
0x43: {  	_ =	shalt  }
0x44: {  	_ =	shalt  }
0x45: {  	_ =	shalt  }
0x46: {  	_ =	shalt  }
0x47: {  	_ =	shalt  }
0x48: {  	_ =	shalt  }
0x49: {  	_ =	shalt  }
0x4a: {  	_ =	shalt  }
0x4b: {  	_ =	shalt  }
0x4c: {  	_ =	shalt  }
0x4d: {  	_ =	shalt  }
0x4e: {  	_ =	shalt  }
0x4f: {  	_ =	shalt  }
0x50: {  	_ =	shalt  }
0x51: {  	_ =	shalt  }
0x52: {  	_ =	shalt  }
0x53: {  	_ =	shalt  }
0x54: {  	_ =	shalt  }
0x55: {  	_ =	shalt  }
0x56: {  	_ =	shalt  }
0x57: {  	_ =	shalt  }
0x58: {  	_ =	shalt  }
0x59: {  	_ =	shalt  }
0x5a: {  	_ =	shalt  }
0x5b: {  	_ =	shalt  }
0x5c: {  	_ =	shalt  }
0x5d: {  	_ =	shalt  }
0x5e: {  	_ =	shalt  }
0x5f: {  	_ =	shalt  }
0x60: {  	_ =	shalt  }
0x61: {  	_ =	shalt  }
0x62: {  	_ =	shalt  }
0x63: {  	_ =	shalt  }
0x64: {  	_ =	shalt  }
0x65: {  	_ =	shalt  }
0x66: {  	_ =	shalt  }
0x67: {  	_ =	shalt  }
0x68: {  	_ =	shalt  }
0x69: {  	_ =	shalt  }
0x6a: {  	_ =	shalt  }
0x6b: {  	_ =	shalt  }
0x6c: {  	_ =	shalt  }
0x6d: {  	_ =	shalt  }
0x6e: {  	_ =	shalt  }
0x6f: {  	_ =	shalt  }
0x70: {  	_ =	shalt  }
0x71: {  	_ =	shalt  }
0x72: {  	_ =	shalt  }
0x73: {  	_ =	shalt  }
0x74: {  	_ =	shalt  }
0x75: {  	_ =	shalt  }
0x76: {  	_ =	shalt  }
0x77: {  	_ =	shalt  }
0x78: {  	_ =	shalt  }
0x79: {  	_ =	shalt  }
0x7a: {  	_ =	shalt  }
0x7b: {  	_ =	shalt  }
0x7c: {  	_ =	shalt  }
0x7d: {  	_ =	shalt  }
0x7e: {  	_ =	shalt  }
0x7f: {  	_ =	shalt  }
0x80: {  	_ =	shalt  }
0x81: {  	_ =	shalt  }
0x82: {  	_ =	shalt  }
0x83: {  	_ =	shalt  }
0x84: {  	_ =	shalt  }
0x85: {  	_ =	shalt  }
0x86: {  	_ =	shalt  }
0x87: {  	_ =	shalt  }
.Lfunc_end0:
.L_simem_size_0:
called_computation_lowered:
.L_overlay_start_0:
0x88: {  	s2 =	sld [smem:$0x3FD9]  }
0x89: {  	s3 =	sld [smem:$0x3FFE];
	_ =	sdelay $0x1  }
0x8a: {  	s1 =	srdreg.scid  }
0x8b: {  	s0 =	sand.u32 $0x1, s1  }
0x8c: {  	s16 =	sshll.u32 s0, $0xA;
	s2 =	sadd.s32 s3, s2  }
0x8d: {  	s2 =	sadd.s32 s2, s16  }
0x8e: {  	[smem:$0x3FBF] =	sst s2  }
0x8f: {  	_ = 	snop  }
0x90: {  	(tm) =	ssettm $0x1  }
0x91: {  	s17 =	sld [smem:$0x3FFB];
	_ =	sdelay $0x3  }
0x92: {  	_ =	strace s17  }
0x93: {  	s2 =	sld [smem:$0x3FFC];
	_ =	sdelay $0x3  }
0x94: {  	_ =	strace s2  }
0x95: {  	s2 =	sld [smem:$0x3FFD];
	_ =	sdelay $0x3  }
0x96: {  	_ =	strace s2  }
0x97: {  	_ =	strace $0x8FFFFFFF  }
0x98: {  	s18 =	sld [smem:$0x3FDB];
	_ =	sdelay $0x1  }
0x99: {  	s19 =	simm.s32 $_scs_section_size  }
0x9a: {  	s4 =	simm.s32 $_size__tile_overlayer_lowered;
	s5 =	simm.s32 $_tile_overlayer_lowered  }
0x9b: {  	s22 =	simm.s32 $0x1BFF;
	s21 =	sshll.u32 s5, $0x1;
	s2 =	sadd.s32 s19, s18  }
0x9c: {  	s6 =	simm.s32 $0x0;
	s20 =	sshll.u32 s4, $0x1;
	s4 =	sadd.s32 s21, s2  }
0x9d: {  	[timem:s6], [sflag:s22] =	dma.local [hbm:s4], s20  }
0x9e: {  	_ =	swait.ge [sflag:s22], s20  }
0x9f: {  	s3 =	ssub.s32 $0x0, s20;
	[sflag:s22] =	ssyncset.done $0x0  }
0xa0: {  	[sflag:s22] =	ssyncadd.s32 s3;
	_ =	sdelay $0x1  }
0xa1: {  	s23 =	simm.s32 $0x1B8B  }
0xa2: {  	_ =	swait.ge [sflag:s23], $0x1  }
0xa3: {  	[sflag:s23] =	ssyncset.done $0x0  }
0xa4: {  	s25 =	simm.s32 $0x1B8E;
	s24 =	sld [smem:$0x3FFE];
	[sflag:s23] =	ssyncadd.s32 $0xFFFFFFFF  }
0xa5: {  	s26 =	simm.s32 $execute0_lowered;
	[smem:$0x3FD2] =	sst s25  }
0xa6: {  	s4 =	sshll.u32 s26, $0x1;
	_ =	strace $0x80000046;
	[dreg:$0x1] =	wrdreg $0xFFFFFFFF  }
0xa7: {  	s28 =	simm.s32 $_size_execute0_lowered;
	s2 =	sadd.s32 s2, s4;
	[dreg:$0x0] =	wrdreg $0x0  }
0xa8: {  	s4 =	sshll.u32 s28, $0x1;
	[dreg:$0x2] =	wrdreg s2  }
0xa9: {  	[dreg:$0x3] =	wrdreg s4  }
0xaa: {  	[dreg:$0x4] =	wrdreg $0xC0  }
0xab: {  	_ =	task [dreg:s6], $0x5FFFF  }
0xac: {  	[dreg:$0x1] =	wrdreg $0xFFFFFFFF  }
0xad: {  	[dreg:$0x0] =	wrdreg $0x60  }
0xae: {  	[dreg:$0x2] =	wrdreg s24  }
0xaf: {  	[dreg:$0x3] =	wrdreg $0x68000  }
0xb0: {  	[dreg:$0x4] =	wrdreg $0x9  }
0xb1: {  	_ =	task.clear_ibuf [dreg:s6], $0x5FFFF;
	_ =	strace $0x90000046  }
0xb2: {  	s29 =	simm.s32 $0x9;
	_ =	strace $0x80000048  }
0xb3: {  	_ =	swait.ge [sflag:s29], $0x1  }
0xb4: {  	[sflag:s29] =	ssyncadd.s32 $0xFFFFFFFF  }
0xb5: {  	_ =	strace $0x90000048  }
0xb6: {  	_ =	sfence  }
0xb7: {  	s30 =	sld [smem:$0x0];
	_ =	sdelay $0x2  }
0xb8: {  	s31 =	sshll.u32 s1, $0xD;
	s1 =	sshrl.u32 s1, $0x2  }
0xb9: {  	s3 =	sand.u32 $0x4000, s31;
	s1 =	sadd.s32 s1, s30  }
0xba: {  	s0 =	sor.u32 s3, s0;
	s1 =	sshll.u32 s1, $0x11  }
0xbb: {  	s0 =	sor.u32 s1, s0  }
0xbc: {  	s0 =	sadd.s32 $0x8F2B, s0  }
0xbd: {  	[sflag:s0] =	ssyncadd.remote.s32 $0x1  }
0xbe: {  	_ =	sfence.sel $0xFFFF  }
0xbf: {  	[dreg:$0x0] =	wrdreg $0xFFFFFFFF;
	(pc) =	sbr.abs _section_cstart, $3  }
0xc0: {  	[dreg:$0x1] =	wrdreg $0xFFFFFFFF  }
0xc1: {  	_ =	task.clear_ibuf [dreg:s6], $0x2FFFF;
	_ =	strace $0x9FFFFFFF  }
0xc2: {  	(tm) =	ssettm $0x7FFFFFFF  }
0xc3: {  	_ =	shalt  }
tec
execute0_lowered:
.L_overlay_start_1:
0x0: {  	(tag) =	ssettag $0x1  }
0x1: {  	s1 =	srdreg.scid;
	s5 =	rddreg [dreg:$0x0]  }
0x2: {  	s0 =	stileid.u32;
	s2 =	rddreg [dreg:$0x1]  }
0x3: {  	s3 =	simm.s32 $0x0;
	s13 =	simm.s32 $0x1;
	s14 =	simm.s32 $0x80  }
0x4: {  	s4 =	sand.u32 $0x1, s1;
	s26 =	sshll.u32 s0, $0x1;
	s8 =	smul.u32 $0x14000, s0  }
0x5: {  	[smem:$0x7FF] =	sst s3;
	s9 =	smul.u32 $0x50000, s0;
	s15 =	sshll.u32 s0, $0x6  }
0x6: {  	s1 =	sor.u32 s4, s26;
	s7 =	smul.u32 $0x140000, s4;
	s29 =	ssub.s32 $0x2, s4  }
0x7: {  	s15 =	sor.u32 $0x1C01, s15;
	s6 =	smul.u32 $0x500, s1;
	s1 =	rddreg [dreg:$0x2]  }
0x8: {  	_ =	strace $0x80000047;
	s30 =	sshrl.u32 s9, $0x2;
	s31 =	sshrl.u32 s29, $0x1  }
0x9: {  	s28 =	sadd.s32 s8, s7;
	s4 =	sadd.s32 s30, s2;
	s12 =	ssub.s32 s29, s31  }
0xa: {  	s10 =	sadd.s32 s6, s5;
	s6 =	sshrl.u32 s28, $0x3;
	s7 =	sadd.s32 $0xC000, s4  }
0xb: {  	s8 =	sadd.s32 $0x10000, s4;
	s16 =	sshrl.u32 s4, $0x3;
	s11 =	sadd.s32 s6, s5  }
0xc: {  	s5 =	sadd.s32 $0x4000, s4;
	s6 =	sadd.s32 $0x8000, s4;
	s9 =	sadd.s32 $0x2600, s10  }
0xd: {  	v0 =	vimm.f32 $0.0e+00;
	v1 =	vimm.f32 $1.000000000e+00;
	s10 =	sadd.s32 $0x16600, s11;
	s11 =	smax.u32 s12, $0x1;
	s12 =	simm.s32 $0x2800  }
.LBB2_1:
0xe: {  	s17 =	simm.s32 $0x0;
	s18 =	simm.s32 $0x200  }
.LBB2_2:
0xf: {  	p0 =	sne.s32 s18, $0xFE00;
	[tilespmem:s17+$0x2870] =	vst v0  }
0x10: {  	[tilespmem:s17+$0x2800] =	vst v0  }
0x11: {  	[tilespmem:s17+$0x2810] =	vst v0  }
.Ltmp0:
0x12: {  	[tilespmem:s17+$0x2820] =	vst v0;
	(pc) =	sbr.rel @p0 .LBB2_2-.Ltmp0, $4  }
0x13: {  	[tilespmem:s17+$0x2830] =	vst v0  }
0x14: {  	[tilespmem:s17+$0x2840] =	vst v0  }
0x15: {  	[tilespmem:s17+$0x2850] =	vst v0  }
0x16: {  	[tilespmem:s17+$0x2860] =	vst v0;
	s17 =	sshra.s32 s18, $0x2;
	s18 =	sadd.s32 $0x200, s18  }
0x17: {  	[tilespmem:s17+$0x2870] =	vst v0  }
0x18: {  	[tilespmem:s17+$0x2800] =	vst v0  }
0x19: {  	[tilespmem:s17+$0x2810] =	vst v0  }
0x1a: {  	[tilespmem:s17+$0x2820] =	vst v0  }
0x1b: {  	[tilespmem:s17+$0x2830] =	vst v0  }
0x1c: {  	[tilespmem:s17+$0x2840] =	vst v0  }
0x1d: {  	[tilespmem:s17+$0x2850] =	vst v0  }
0x1e: {  	[tilespmem:s17+$0x2860] =	vst v0  }
0x1f: {  	[spmem:s4] =	stream.linear.scatter [tilespmem:s12], [sflag:$0x1], $0x4000, $0x38;
	[tilespmem:$0x1A800] =	vst v63  }
0x20: {  	_ =	swait.ge [sflag:s13], $0x4000  }
0x21: {  	[sflag:s13] =	ssyncset.done $0x0  }
0x22: {  	[sflag:s13] =	ssyncadd.s32 $0xFFFFC000  }
0x23: {  	[spmem:s5] =	stream.linear.scatter [tilespmem:s12], [sflag:$0x1], $0x4000, $0x38;
	[tilespmem:$0x1A800] =	vst v63  }
0x24: {  	_ =	swait.ge [sflag:s13], $0x4000  }
0x25: {  	[sflag:s13] =	ssyncset.done $0x0  }
0x26: {  	[sflag:s13] =	ssyncadd.s32 $0xFFFFC000  }
0x27: {  	[spmem:s6] =	stream.linear.scatter [tilespmem:s12], [sflag:$0x1], $0x4000, $0x38;
	[tilespmem:$0x1A800] =	vst v63  }
0x28: {  	_ =	swait.ge [sflag:s13], $0x4000  }
0x29: {  	[sflag:s13] =	ssyncset.done $0x0  }
0x2a: {  	[sflag:s13] =	ssyncadd.s32 $0xFFFFC000  }
0x2b: {  	[spmem:s7] =	stream.linear.scatter [tilespmem:s12], [sflag:$0x1], $0x4000, $0x38;
	[tilespmem:$0x1A800] =	vst v63  }
0x2c: {  	_ =	swait.ge [sflag:s13], $0x4000  }
0x2d: {  	[sflag:s13] =	ssyncset.done $0x0  }
0x2e: {  	[sflag:s13] =	ssyncadd.s32 $0xFFFFC000  }
0x2f: {  	[spmem:s8] =	stream.linear.scatter [tilespmem:s12], [sflag:$0x1], $0x4000, $0x38;
	[tilespmem:$0x1A800] =	vst v63  }
0x30: {  	_ =	swait.ge [sflag:s13], $0x4000  }
0x31: {  	[sflag:s13] =	ssyncset.done $0x0  }
0x32: {  	s17 =	simm.s32 $0x0;
	s18 =	simm.s32 $0x200;
	[sflag:s13] =	ssyncadd.s32 $0xFFFFC000  }
.LBB2_4:
0x33: {  	p0 =	sne.s32 s18, $0xFE00;
	[tilespmem:s17+$0x2870] =	vst v1  }
0x34: {  	[tilespmem:s17+$0x2800] =	vst v1  }
0x35: {  	[tilespmem:s17+$0x2810] =	vst v1  }
.Ltmp1:
0x36: {  	[tilespmem:s17+$0x2820] =	vst v1;
	(pc) =	sbr.rel @p0 .LBB2_4-.Ltmp1, $4  }
0x37: {  	[tilespmem:s17+$0x2830] =	vst v1  }
0x38: {  	[tilespmem:s17+$0x2840] =	vst v1  }
0x39: {  	[tilespmem:s17+$0x2850] =	vst v1  }
0x3a: {  	[tilespmem:s17+$0x2860] =	vst v1;
	s17 =	sshra.s32 s18, $0x2;
	s18 =	sadd.s32 $0x200, s18  }
0x3b: {  	[tilespmem:s17+$0x2870] =	vst v1  }
0x3c: {  	[tilespmem:s17+$0x2800] =	vst v1  }
0x3d: {  	[tilespmem:s17+$0x2810] =	vst v1  }
0x3e: {  	[tilespmem:s17+$0x2820] =	vst v1  }
0x3f: {  	[tilespmem:s17+$0x2830] =	vst v1  }
0x40: {  	[tilespmem:s17+$0x2840] =	vst v1  }
0x41: {  	[tilespmem:s17+$0x2850] =	vst v1  }
0x42: {  	[tilespmem:s17+$0x2860] =	vst v1;
	s30 =	simm.s32 $0x0  }
0x43: {  	[tilespmem:s30], [sflag:$0x1] =	stream.linear.gather [hbm4b:s9+s30], $0x2800, $0x38;
	[tilespmem:$0x1A800] =	vst v63  }
0x44: {  	_ =	swait.ge [sflag:s13], $0x2800  }
0x45: {  	[sflag:s13] =	ssyncset.done $0x0  }
0x46: {  	[sflag:s13] =	ssyncadd.s32 $0xFFFFD800  }
0x47: {  	s31 =	simm.s32 $0x0;
	[bflag:$0x0] =	sbarrier.arrive $0xFFFF  }
0x48: {  	[spmem:s2] =	stream.indirect.scatter.add.f32 [tilespmem:s12], [sflag:$0x1], $0x80, s31, s14, $0xb8;
	[tilespmem:$0x1A800] =	vst v63  }
0x49: {  	_ =	swait.ge [sflag:s13], $0x4000  }
0x4a: {  	s17 =	simm.s32 $0x200;
	[sflag:s13] =	ssyncset.done $0x0  }
.LBB2_6:
0x4b: {  	s18 =	sshra.s32 s17, $0x2;
	[sflag:s13] =	ssyncadd.s32 $0xFFFFC000;
	p0 =	sne.s32 s17, $0x9E00  }
0x4c: {  	[spmem:s2] =	stream.indirect.scatter.add.f32 [tilespmem:s12], [sflag:$0x1], $0x80, s18, s14, $0xb8;
	[tilespmem:$0x1A800] =	vst v63  }
.Ltmp2:
0x4d: {  	_ = 	snop;
	(pc) =	sbr.rel @p0 .LBB2_6-.Ltmp2, $4  }
0x4e: {  	_ = 	snop  }
0x4f: {  	s17 =	sadd.s32 $0x200, s17  }
0x50: {  	_ =	swait.ge [sflag:s13], $0x4000  }
0x51: {  	[sflag:s13] =	ssyncset.done $0x0  }
0x52: {  	s3 =	sadd.s32 $0x1, s3  }
0x53: {  	[sflag:s13] =	ssyncadd.s32 $0xFFFFC000;
	p0 =	sne.s32 s3, s11  }
.Ltmp3:
0x54: {  	[bflag:$0x0] =	sbarrier.arrive $0xFFFF;
	(pc) =	sbr.rel @p0 .LBB2_1-.Ltmp3, $4  }
0x55: {  	[hbm:s10], [sflag:s15] =	dma.local [spmem:s16], $0x2800  }
0x56: {  	_ =	swait.ge [sflag:s13], $0x2800  }
0x57: {  	[sflag:s13] =	ssyncset.done $0x0  }
0x58: {  	[sflag:s13] =	ssyncadd.s32 $0xFFFFD800  }
0x59: {  	_ =	sfence.sel $0x180000  }
0x5a: {  	[bflag:$0x0] =	sbarrier.arrive $0xFFFF  }
0x5b: {  	p0 =	sne.s32 s0, $0x0;
	_ =	strace $0x90000047  }
0x5c: {  	s0 =	sadd.s32 @!p0 $0x100000, s1;
	[bflag:$0x2] =	sbarrier.arrive $0xFFFF  }
0x5d: {  	[sflag:s0] =	ssyncadd.tile.s32 @!p0 $0x1;
	_ =	shalt  }
.Lfunc_end2:
_tile_overlayer_lowered:
.L_overlay_start_2:
0x5e: {  	(tag) =	ssettag $0x2  }
0x5f: {  	s0 =	rddreg [dreg:$0x0];
	s2 =	stileid.u32  }
0x60: {  	s1 =	rddreg [dreg:$0x1];
	p0 =	sne.s32 s2, $0x0  }
0x61: {  	s3 =	rddreg [dreg:$0x2];
	[bflag:$0x3] =	sbarrier.arrive $0xFFFF;
	s2 =	simm.s32 @!p0 $0x1C01  }
0x62: {  	[timem:s3], [sflag:s2] =	dma.local @!p0 [hbm:s0], s1  }
0x63: {  	s0 =	simm.s32 @!p0 $0x1  }
0x64: {  	_ =	swait.ge @!p0 [sflag:s0], s1  }
0x65: {  	s1 =	ssub.s32 @!p0 $0x0, s1;
	[sflag:s0] =	ssyncset.done @!p0 $0x0  }
0x66: {  	[sflag:s0] =	ssyncadd.s32 @!p0 s1  }
0x67: {  	[bflag:$0x3] =	sbarrier.arrive $0xFFFF  }
0x68: {  	_ =	shalt  }

</sc_bundles>
